<compile_context>
chip_gen: v7x
topology: tpu7x:2x2x1
jax: 0.10.2.dev20260603
libtpu: 0.0.44.dev20260713+nightly
codegen_flags: <defaults>
</compile_context>

<pallas_src>
import functools

import jax
import jax.numpy as jnp
from jax import lax
from jax.experimental import pallas as pl
from jax.experimental.pallas import tpu as pltpu
from jax.experimental.pallas import tpu_sc as plsc

N = 10000
E = 320000
D_IN = 128
D_HID = 256
D_OUT = 128

NC = 2
NS = 16
NW = NC * NS
C = 112
K = 90
NB = 2
GD = 1
E_PAD = NW * K * C
ROWS_PER_SUB = 632
N_PAD = NS * ROWS_PER_SUB


def _segsum_partial_sc(table, src_w, dst_w, zeros):
    mesh = plsc.VectorSubcoreMesh(core_axis_name="c", subcore_axis_name="s")

    @functools.partial(
        pl.kernel,
        out_type=jax.ShapeDtypeStruct((2 * N_PAD, D_IN), jnp.float32),
        mesh=mesh,
        scratch_types=[
            [pltpu.VMEM((1, C), jnp.int32) for _ in range(NB)],
            [pltpu.VMEM((1, C), jnp.int32) for _ in range(NB)],
            [pltpu.VMEM((C, D_IN), jnp.float32) for _ in range(NB)],
            pltpu.VMEM_SHARED((N_PAD, D_IN), jnp.float32),
            [pltpu.SemaphoreType.DMA for _ in range(NB)],
            [pltpu.SemaphoreType.DMA for _ in range(NB)],
            [pltpu.SemaphoreType.DMA for _ in range(NB)],
            [pltpu.SemaphoreType.DMA for _ in range(NB)],
        ],
    )
    def seg_kernel(table_hbm, src_hbm, dst_hbm, zeros_hbm, out_hbm,
                   srcv, dstv, rows_v, acc_sh, s_sem, d_sem, gsem, ssem):
        c = lax.axis_index("c")
        s = lax.axis_index("s")
        wid = s * NC + c

        row0 = s * ROWS_PER_SUB
        pltpu.sync_copy(zeros_hbm.at[pl.ds(row0, ROWS_PER_SUB)],
                        acc_sh.at[pl.ds(row0, ROWS_PER_SUB)])
        plsc.subcore_barrier()

        for v in range(NB):
            pltpu.async_copy(src_hbm.at[wid, pl.ds(v, 1)], srcv[v], s_sem[v])
        for v in range(GD):
            pltpu.async_copy(dst_hbm.at[wid, pl.ds(v, 1)], dstv[v], d_sem[v])
        for v in range(GD):
            pltpu.make_async_copy(src_hbm.at[wid, pl.ds(v, 1)],
                                  srcv[v], s_sem[v]).wait()
            pltpu.async_copy(table_hbm.at[srcv[v].at[0]], rows_v[v], gsem[v])

        def chunk_steps(i, w, u2, first):
            pltpu.make_async_copy(table_hbm.at[srcv[w].at[0]],
                                  rows_v[w], gsem[w]).wait()
            pltpu.async_copy(src_hbm.at[wid, pl.ds(i + NB, 1)],
                             srcv[w], s_sem[w])
            pltpu.make_async_copy(dst_hbm.at[wid, pl.ds(i, 1)],
                                  dstv[w], d_sem[w]).wait()
            pltpu.async_copy(rows_v[w], acc_sh.at[dstv[w].at[0]],
                             ssem[w], add=True)
            if not first:
                pltpu.make_async_copy(rows_v[u2],
                                      acc_sh.at[dstv[u2].at[0]],
                                      ssem[u2]).wait()
            pltpu.async_copy(dst_hbm.at[wid, pl.ds(i + GD, 1)],
                             dstv[u2], d_sem[u2])
            pltpu.make_async_copy(src_hbm.at[wid, pl.ds(i + GD, 1)],
                                  srcv[u2], s_sem[u2]).wait()
            pltpu.async_copy(table_hbm.at[srcv[u2].at[0]],
                             rows_v[u2], gsem[u2])

        for u in range(NB):
            chunk_steps(u, u, (u + GD) % NB, first=(u < NB - GD))

        def body(j, carry):
            for u in range(NB):
                i = NB * j + u
                chunk_steps(i, u, (u + GD) % NB, first=False)
            return carry

        lax.fori_loop(1, K // NB, body, 0, unroll=False)

        for v in range(GD):
            pltpu.make_async_copy(table_hbm.at[srcv[v].at[0]],
                                  rows_v[v], gsem[v]).wait()
        for v in range(GD, NB):
            pltpu.make_async_copy(rows_v[v], acc_sh.at[dstv[v].at[0]],
                                  ssem[v]).wait()
        for v in range(GD, NB):
            pltpu.make_async_copy(src_hbm.at[wid, pl.ds(K + v, 1)],
                                  srcv[v], s_sem[v]).wait()
        for v in range(GD):
            pltpu.make_async_copy(dst_hbm.at[wid, pl.ds(K + v, 1)],
                                  dstv[v], d_sem[v]).wait()

        plsc.subcore_barrier()
        pltpu.sync_copy(acc_sh.at[pl.ds(row0, ROWS_PER_SUB)],
                        out_hbm.at[pl.ds(c * N_PAD + row0, ROWS_PER_SUB)])

    return seg_kernel(table, src_w, dst_w, zeros)


def _layer1_tc(p0, p1, x, w1_rel, b1, w1_root, w2_rel):
    BLK = 2000

    def body(p0_ref, p1_ref, x_ref, w1rel_ref, b1_ref, w1root_ref, w2rel_ref,
             h_ref, g2_ref):
        agg = p0_ref[...] + p1_ref[...]
        acc = jnp.dot(agg, w1rel_ref[...], preferred_element_type=jnp.float32)
        acc += jnp.dot(x_ref[...], w1root_ref[...],
                       preferred_element_type=jnp.float32)
        h = jnp.maximum(acc + b1_ref[...], 0.0)
        h_ref[...] = h
        g2_ref[...] = jnp.dot(h, w2rel_ref[...],
                              preferred_element_type=jnp.float32)

    grid = N // BLK
    row_blk = lambda i: (i, 0)
    rep = lambda i: (0, 0)
    return pl.pallas_call(
        body,
        grid=(grid,),
        in_specs=[
            pl.BlockSpec((BLK, D_IN), row_blk),
            pl.BlockSpec((BLK, D_IN), row_blk),
            pl.BlockSpec((BLK, D_IN), row_blk),
            pl.BlockSpec((D_IN, D_HID), rep),
            pl.BlockSpec((1, D_HID), lambda i: (0, 0)),
            pl.BlockSpec((D_IN, D_HID), rep),
            pl.BlockSpec((D_HID, D_OUT), rep),
        ],
        out_specs=[
            pl.BlockSpec((BLK, D_HID), row_blk),
            pl.BlockSpec((BLK, D_OUT), row_blk),
        ],
        out_shape=[
            jax.ShapeDtypeStruct((N, D_HID), jnp.float32),
            jax.ShapeDtypeStruct((N, D_OUT), jnp.float32),
        ],
    )(p0, p1, x, w1_rel, b1.reshape(1, D_HID), w1_root, w2_rel)


def _layer2_tc(p0, p1, h, b2, w2_root):
    BLK = 2000

    def body(p0_ref, p1_ref, h_ref, b2_ref, w2root_ref, out_ref):
        acc = jnp.dot(h_ref[...], w2root_ref[...],
                      preferred_element_type=jnp.float32)
        out_ref[...] = p0_ref[...] + p1_ref[...] + b2_ref[...] + acc

    grid = N // BLK
    row_blk = lambda i: (i, 0)
    return pl.pallas_call(
        body,
        grid=(grid,),
        in_specs=[
            pl.BlockSpec((BLK, D_OUT), row_blk),
            pl.BlockSpec((BLK, D_OUT), row_blk),
            pl.BlockSpec((BLK, D_HID), row_blk),
            pl.BlockSpec((1, D_OUT), lambda i: (0, 0)),
            pl.BlockSpec((D_HID, D_OUT), lambda i: (0, 0)),
        ],
        out_specs=pl.BlockSpec((BLK, D_OUT), row_blk),
        out_shape=jax.ShapeDtypeStruct((N, D_OUT), jnp.float32),
    )(p0, p1, h, b2.reshape(1, D_OUT), w2_root)


def kernel(x, edge_index, W1_rel, b1, W1_root, W2_rel, b2, W2_root):
    ei = edge_index.astype(jnp.int32)
    pad = E_PAD - E
    src = jnp.concatenate([ei[0], jnp.zeros((pad,), jnp.int32)])
    dst = jnp.concatenate([ei[1], jnp.full((pad,), N, jnp.int32)])
    src_w = jnp.concatenate(
        [src.reshape(NW, K, C), jnp.zeros((NW, NB, C), jnp.int32)], axis=1)
    dst_w = jnp.concatenate(
        [dst.reshape(NW, K, C), jnp.full((NW, NB, C), N, jnp.int32)], axis=1)
    zeros = jnp.zeros((N_PAD, D_IN), jnp.float32)

    p1 = _segsum_partial_sc(x, src_w, dst_w, zeros)
    h, g2 = _layer1_tc(p1[:N], p1[N_PAD:N_PAD + N], x,
                       W1_rel, b1, W1_root, W2_rel)
    p2 = _segsum_partial_sc(g2, src_w, dst_w, zeros)
    out = _layer2_tc(p2[:N], p2[N_PAD:N_PAD + N], h, b2, W2_root)
    return out

# --- scband reference (transcript-rebuilt; emitter-appended) ---
"""Pipeline reference for scband-gcnencoder-82635170775051 (READ-ONLY COPY).

The authoritative reference and input builder live on the scoring server;
editing this copy changes nothing except your own understanding.
"""

import jax, jax.numpy as jnp
import numpy as np

N = 10000
E = 320000
D_IN = 128
D_HID = 256
D_OUT = 128


def setup_inputs(seed: int = 0) -> dict:
    key = jax.random.key(seed)
    ks = jax.random.split(key, 9)
    x = jax.random.normal(ks[0], (N, D_IN), dtype=jnp.float32)
    edge_index = jax.random.randint(ks[1], (2, E), 0, N, dtype=jnp.int64)
    s1 = 1.0 / np.sqrt(D_IN)
    s2 = 1.0 / np.sqrt(D_HID)
    W1_rel = jax.random.uniform(ks[2], (D_IN, D_HID), jnp.float32, -s1, s1)
    b1 = jax.random.uniform(ks[3], (D_HID,), jnp.float32, -s1, s1)
    W1_root = jax.random.uniform(ks[4], (D_IN, D_HID), jnp.float32, -s1, s1)
    W2_rel = jax.random.uniform(ks[5], (D_HID, D_OUT), jnp.float32, -s2, s2)
    b2 = jax.random.uniform(ks[6], (D_OUT,), jnp.float32, -s2, s2)
    W2_root = jax.random.uniform(ks[7], (D_HID, D_OUT), jnp.float32, -s2, s2)
    return {"x": x, "edge_index": edge_index, "W1_rel": W1_rel, "b1": b1,
            "W1_root": W1_root, "W2_rel": W2_rel, "b2": b2, "W2_root": W2_root}


def _graph_conv(x, src, dst, W_rel, b_rel, W_root):
    # PyG GraphConv (aggr='add'): out = lin_rel(sum_{j in N(i)} x_j) + lin_root(x_i)
    msgs = jnp.take(x, src, axis=0)
    agg = jax.ops.segment_sum(msgs, dst, num_segments=x.shape[0])
    return agg @ W_rel + b_rel + x @ W_root


def reference(x, edge_index, W1_rel, b1, W1_root, W2_rel, b2, W2_root):
    src = edge_index[0]
    dst = edge_index[1]
    h = _graph_conv(x, src, dst, W1_rel, b1, W1_root)
    h = jax.nn.relu(h)
    out = _graph_conv(h, src, dst, W2_rel, b2, W2_root)
    return out

if __name__ == "__main__":
    import jax
    _d = setup_inputs()
    print(jax.jit(kernel)(*tuple(_d.values())))

</pallas_src>

<mosaic_0001>
#map = affine_map<(d0, d1) -> (0, 0)>
#map1 = affine_map<(d0, d1) -> (0, 0, 0)>
module attributes {stable_mosaic.version = 14 : i64} {
  func.func @seg_kernel(%arg0: i32, %arg1: i32, %arg2: memref<10000x128xf32, #tpu.memory_space<hbm>>, %arg3: memref<32x92x112xi32, #tpu.memory_space<hbm>>, %arg4: memref<32x92x112xi32, #tpu.memory_space<hbm>>, %arg5: memref<10112x128xf32, #tpu.memory_space<hbm>>, %arg6: memref<20224x128xf32, #tpu.memory_space<hbm>>, %arg7: memref<1x112xi32, #tpu.memory_space<vmem>>, %arg8: memref<1x112xi32, #tpu.memory_space<vmem>>, %arg9: memref<1x112xi32, #tpu.memory_space<vmem>>, %arg10: memref<1x112xi32, #tpu.memory_space<vmem>>, %arg11: memref<112x128xf32, #tpu.memory_space<vmem>>, %arg12: memref<112x128xf32, #tpu.memory_space<vmem>>, %arg13: memref<10112x128xf32, #tpu.memory_space<vmem_shared>>, %arg14: memref<!tpu.dma_semaphore, #tpu.memory_space<semaphore_mem>>, %arg15: memref<!tpu.dma_semaphore, #tpu.memory_space<semaphore_mem>>, %arg16: memref<!tpu.dma_semaphore, #tpu.memory_space<semaphore_mem>>, %arg17: memref<!tpu.dma_semaphore, #tpu.memory_space<semaphore_mem>>, %arg18: memref<!tpu.dma_semaphore, #tpu.memory_space<semaphore_mem>>, %arg19: memref<!tpu.dma_semaphore, #tpu.memory_space<semaphore_mem>>, %arg20: memref<!tpu.dma_semaphore, #tpu.memory_space<semaphore_mem>>, %arg21: memref<!tpu.dma_semaphore, #tpu.memory_space<semaphore_mem>>) attributes {dimension_semantics = [#tpu.dimension_semantics<core_parallel>, #tpu.dimension_semantics<subcore_parallel>], iteration_bounds = array<i64: 2, 16>, scalar_prefetch = 0 : i64, scratch_operands = 15 : i64, tpu.core_type = #tpu.core_type<sc_vector_subcore>, window_params = [{transform_indices = #map}, {transform_indices = #map1}, {transform_indices = #map1}, {transform_indices = #map}, {transform_indices = #map}]} {
    %mul3A = arith.constant 2 : i32
    %mul3A_0 = arith.muli %arg1, %mul3A : i32
    %add3A = arith.addi %mul3A_0, %arg0 : i32
    %mul3A_1 = arith.constant 632 : i32
    %mul3A_2 = arith.muli %arg1, %mul3A_1 : i32
    "tpu.region"() ({
      %run_scoped3A = tpu.sem_alloc : memref<!tpu.dma_semaphore, #tpu.memory_space<semaphore_mem>>
      %dma_start3A_192 = arith.constant 0 : i32
      %dma_start3A_193 = tpu.memref_slice %arg13[%mul3A_2, %dma_start3A_192] : memref<10112x128xf32, #tpu.memory_space<vmem_shared>> -> memref<632x128xf32, #tpu.memory_space<vmem_shared>>
      %dma_start3A_194 = arith.constant 0 : i32
      %dma_start3A_195 = tpu.memref_slice %arg5[%mul3A_2, %dma_start3A_194] : memref<10112x128xf32, #tpu.memory_space<hbm>> -> memref<632x128xf32, #tpu.memory_space<hbm>>
      tpu.enqueue_dma source(%dma_start3A_195 : memref<632x128xf32, #tpu.memory_space<hbm>>) target(%dma_start3A_193 : memref<632x128xf32, #tpu.memory_space<vmem_shared>>) target_semaphore(%run_scoped3A : memref<!tpu.dma_semaphore, #tpu.memory_space<semaphore_mem>>)
      %dma_wait3A_196 = arith.constant 0 : i32
      %dma_wait3A_197 = tpu.memref_slice %arg13[%mul3A_2, %dma_wait3A_196] : memref<10112x128xf32, #tpu.memory_space<vmem_shared>> -> memref<632x128xf32, #tpu.memory_space<vmem_shared>>
      %dma_wait3A_198 = arith.constant 0 : i32
      %dma_wait3A_199 = tpu.memref_slice %arg5[%mul3A_2, %dma_wait3A_198] : memref<10112x128xf32, #tpu.memory_space<hbm>> -> memref<632x128xf32, #tpu.memory_space<hbm>>
      tpu.wait_dma2 semaphore(%run_scoped3A : memref<!tpu.dma_semaphore, #tpu.memory_space<semaphore_mem>>) src(%dma_wait3A_199 : memref<632x128xf32, #tpu.memory_space<hbm>>) dst(%dma_wait3A_197 : memref<632x128xf32, #tpu.memory_space<vmem_shared>>)
      tpu.yield
    }) : () -> ()
    %barrier3A = arith.constant 0 : index
    tpu.barrier barrier_id(%barrier3A)
    %dma_start3A = arith.constant 0 : i32
    %dma_start3A_3 = arith.constant 0 : i32
    %dma_start3A_4 = tpu.memref_slice %arg3[%add3A, %dma_start3A, %dma_start3A_3] : memref<32x92x112xi32, #tpu.memory_space<hbm>> -> memref<1x1x112xi32, #tpu.memory_space<hbm>>
    %dma_start3A_5 = tpu.memref_squeeze %dma_start3A_4 : memref<1x1x112xi32, #tpu.memory_space<hbm>> -> memref<1x112xi32, #tpu.memory_space<hbm>>
    %dma_start3A_6 = arith.constant 0 : i32
    %dma_start3A_7 = arith.constant 0 : i32
    %dma_start3A_8 = tpu.memref_slice %arg3[%add3A, %dma_start3A_6, %dma_start3A_7] : memref<32x92x112xi32, #tpu.memory_space<hbm>> -> memref<1x1x112xi32, #tpu.memory_space<hbm>>
    %dma_start3A_9 = tpu.memref_squeeze %dma_start3A_8 : memref<1x1x112xi32, #tpu.memory_space<hbm>> -> memref<1x112xi32, #tpu.memory_space<hbm>>
    tpu.enqueue_dma source(%dma_start3A_9 : memref<1x112xi32, #tpu.memory_space<hbm>>) target(%arg7 : memref<1x112xi32, #tpu.memory_space<vmem>>) target_semaphore(%arg14 : memref<!tpu.dma_semaphore, #tpu.memory_space<semaphore_mem>>)
    %dma_start3A_10 = arith.constant 1 : i32
    %dma_start3A_11 = arith.constant 0 : i32
    %dma_start3A_12 = tpu.memref_slice %arg3[%add3A, %dma_start3A_10, %dma_start3A_11] : memref<32x92x112xi32, #tpu.memory_space<hbm>> -> memref<1x1x112xi32, #tpu.memory_space<hbm>>
    %dma_start3A_13 = tpu.memref_squeeze %dma_start3A_12 : memref<1x1x112xi32, #tpu.memory_space<hbm>> -> memref<1x112xi32, #tpu.memory_space<hbm>>
    %dma_start3A_14 = arith.constant 1 : i32
    %dma_start3A_15 = arith.constant 0 : i32
    %dma_start3A_16 = tpu.memref_slice %arg3[%add3A, %dma_start3A_14, %dma_start3A_15] : memref<32x92x112xi32, #tpu.memory_space<hbm>> -> memref<1x1x112xi32, #tpu.memory_space<hbm>>
    %dma_start3A_17 = tpu.memref_squeeze %dma_start3A_16 : memref<1x1x112xi32, #tpu.memory_space<hbm>> -> memref<1x112xi32, #tpu.memory_space<hbm>>
    tpu.enqueue_dma source(%dma_start3A_17 : memref<1x112xi32, #tpu.memory_space<hbm>>) target(%arg8 : memref<1x112xi32, #tpu.memory_space<vmem>>) target_semaphore(%arg15 : memref<!tpu.dma_semaphore, #tpu.memory_space<semaphore_mem>>)
    %dma_start3A_18 = arith.constant 0 : i32
    %dma_start3A_19 = arith.constant 0 : i32
    %dma_start3A_20 = tpu.memref_slice %arg4[%add3A, %dma_start3A_18, %dma_start3A_19] : memref<32x92x112xi32, #tpu.memory_space<hbm>> -> memref<1x1x112xi32, #tpu.memory_space<hbm>>
    %dma_start3A_21 = tpu.memref_squeeze %dma_start3A_20 : memref<1x1x112xi32, #tpu.memory_space<hbm>> -> memref<1x112xi32, #tpu.memory_space<hbm>>
    %dma_start3A_22 = arith.constant 0 : i32
    %dma_start3A_23 = arith.constant 0 : i32
    %dma_start3A_24 = tpu.memref_slice %arg4[%add3A, %dma_start3A_22, %dma_start3A_23] : memref<32x92x112xi32, #tpu.memory_space<hbm>> -> memref<1x1x112xi32, #tpu.memory_space<hbm>>
    %dma_start3A_25 = tpu.memref_squeeze %dma_start3A_24 : memref<1x1x112xi32, #tpu.memory_space<hbm>> -> memref<1x112xi32, #tpu.memory_space<hbm>>
    tpu.enqueue_dma source(%dma_start3A_25 : memref<1x112xi32, #tpu.memory_space<hbm>>) target(%arg9 : memref<1x112xi32, #tpu.memory_space<vmem>>) target_semaphore(%arg16 : memref<!tpu.dma_semaphore, #tpu.memory_space<semaphore_mem>>)
    %dma_wait3A = arith.constant 0 : i32
    %dma_wait3A_26 = arith.constant 0 : i32
    %dma_wait3A_27 = tpu.memref_slice %arg3[%add3A, %dma_wait3A, %dma_wait3A_26] : memref<32x92x112xi32, #tpu.memory_space<hbm>> -> memref<1x1x112xi32, #tpu.memory_space<hbm>>
    %dma_wait3A_28 = tpu.memref_squeeze %dma_wait3A_27 : memref<1x1x112xi32, #tpu.memory_space<hbm>> -> memref<1x112xi32, #tpu.memory_space<hbm>>
    %dma_wait3A_29 = arith.constant 0 : i32
    %dma_wait3A_30 = arith.constant 0 : i32
    %dma_wait3A_31 = tpu.memref_slice %arg3[%add3A, %dma_wait3A_29, %dma_wait3A_30] : memref<32x92x112xi32, #tpu.memory_space<hbm>> -> memref<1x1x112xi32, #tpu.memory_space<hbm>>
    %dma_wait3A_32 = tpu.memref_squeeze %dma_wait3A_31 : memref<1x1x112xi32, #tpu.memory_space<hbm>> -> memref<1x112xi32, #tpu.memory_space<hbm>>
    tpu.wait_dma2 semaphore(%arg14 : memref<!tpu.dma_semaphore, #tpu.memory_space<semaphore_mem>>) src(%dma_wait3A_32 : memref<1x112xi32, #tpu.memory_space<hbm>>) dst(%arg7 : memref<1x112xi32, #tpu.memory_space<vmem>>)
    %dma_start3A_33 = arith.constant 0 : i32
    %dma_start3A_34 = arith.constant 0 : i32
    %dma_start3A_35 = tpu.memref_slice %arg7[%dma_start3A_33, %dma_start3A_34] : memref<1x112xi32, #tpu.memory_space<vmem>> -> memref<1x112xi32, #tpu.memory_space<vmem>>
    %dma_start3A_36 = tpu.memref_squeeze %dma_start3A_35 : memref<1x112xi32, #tpu.memory_space<vmem>> -> memref<112xi32, #tpu.memory_space<vmem>>
    %dma_start3A_37 = arith.constant 0 : i32
    %dma_start3A_38 = arith.constant 0 : i32
    %dma_start3A_39 = tpu.memref_slice %arg2[%dma_start3A_37, %dma_start3A_38] : memref<10000x128xf32, #tpu.memory_space<hbm>> -> memref<10000x128xf32, #tpu.memory_space<hbm>>
    tpu.enqueue_indirect_dma source(%dma_start3A_39 : memref<10000x128xf32, #tpu.memory_space<hbm>>) target(%arg11 : memref<112x128xf32, #tpu.memory_space<vmem>>) offsets(%dma_start3A_36 : memref<112xi32, #tpu.memory_space<vmem>>) semaphore(%arg18 : memref<!tpu.dma_semaphore, #tpu.memory_space<semaphore_mem>>)
    %dma_wait3A_40 = arith.constant 0 : i32
    %dma_wait3A_41 = arith.constant 0 : i32
    %dma_wait3A_42 = tpu.memref_slice %arg7[%dma_wait3A_40, %dma_wait3A_41] : memref<1x112xi32, #tpu.memory_space<vmem>> -> memref<1x112xi32, #tpu.memory_space<vmem>>
    %dma_wait3A_43 = tpu.memref_squeeze %dma_wait3A_42 : memref<1x112xi32, #tpu.memory_space<vmem>> -> memref<112xi32, #tpu.memory_space<vmem>>
    %dma_wait3A_44 = arith.constant 0 : i32
    %dma_wait3A_45 = arith.constant 0 : i32
    %dma_wait3A_46 = tpu.memref_slice %arg2[%dma_wait3A_44, %dma_wait3A_45] : memref<10000x128xf32, #tpu.memory_space<hbm>> -> memref<10000x128xf32, #tpu.memory_space<hbm>>
    tpu.wait_indirect_dma semaphore(%arg18 : memref<!tpu.dma_semaphore, #tpu.memory_space<semaphore_mem>>) src(%dma_wait3A_46 : memref<10000x128xf32, #tpu.memory_space<hbm>>) dst(%arg11 : memref<112x128xf32, #tpu.memory_space<vmem>>)
    %dma_start3A_47 = arith.constant 2 : i32
    %dma_start3A_48 = arith.constant 0 : i32
    %dma_start3A_49 = tpu.memref_slice %arg3[%add3A, %dma_start3A_47, %dma_start3A_48] : memref<32x92x112xi32, #tpu.memory_space<hbm>> -> memref<1x1x112xi32, #tpu.memory_space<hbm>>
    %dma_start3A_50 = tpu.memref_squeeze %dma_start3A_49 : memref<1x1x112xi32, #tpu.memory_space<hbm>> -> memref<1x112xi32, #tpu.memory_space<hbm>>
    %dma_start3A_51 = arith.constant 2 : i32
    %dma_start3A_52 = arith.constant 0 : i32
    %dma_start3A_53 = tpu.memref_slice %arg3[%add3A, %dma_start3A_51, %dma_start3A_52] : memref<32x92x112xi32, #tpu.memory_space<hbm>> -> memref<1x1x112xi32, #tpu.memory_space<hbm>>
    %dma_start3A_54 = tpu.memref_squeeze %dma_start3A_53 : memref<1x1x112xi32, #tpu.memory_space<hbm>> -> memref<1x112xi32, #tpu.memory_space<hbm>>
    tpu.enqueue_dma source(%dma_start3A_54 : memref<1x112xi32, #tpu.memory_space<hbm>>) target(%arg7 : memref<1x112xi32, #tpu.memory_space<vmem>>) target_semaphore(%arg14 : memref<!tpu.dma_semaphore, #tpu.memory_space<semaphore_mem>>)
    %dma_wait3A_55 = arith.constant 0 : i32
    %dma_wait3A_56 = arith.constant 0 : i32
    %dma_wait3A_57 = tpu.memref_slice %arg4[%add3A, %dma_wait3A_55, %dma_wait3A_56] : memref<32x92x112xi32, #tpu.memory_space<hbm>> -> memref<1x1x112xi32, #tpu.memory_space<hbm>>
    %dma_wait3A_58 = tpu.memref_squeeze %dma_wait3A_57 : memref<1x1x112xi32, #tpu.memory_space<hbm>> -> memref<1x112xi32, #tpu.memory_space<hbm>>
    %dma_wait3A_59 = arith.constant 0 : i32
    %dma_wait3A_60 = arith.constant 0 : i32
    %dma_wait3A_61 = tpu.memref_slice %arg4[%add3A, %dma_wait3A_59, %dma_wait3A_60] : memref<32x92x112xi32, #tpu.memory_space<hbm>> -> memref<1x1x112xi32, #tpu.memory_space<hbm>>
    %dma_wait3A_62 = tpu.memref_squeeze %dma_wait3A_61 : memref<1x1x112xi32, #tpu.memory_space<hbm>> -> memref<1x112xi32, #tpu.memory_space<hbm>>
    tpu.wait_dma2 semaphore(%arg16 : memref<!tpu.dma_semaphore, #tpu.memory_space<semaphore_mem>>) src(%dma_wait3A_62 : memref<1x112xi32, #tpu.memory_space<hbm>>) dst(%arg9 : memref<1x112xi32, #tpu.memory_space<vmem>>)
    %dma_start3A_63 = arith.constant 0 : i32
    %dma_start3A_64 = arith.constant 0 : i32
    %dma_start3A_65 = tpu.memref_slice %arg9[%dma_start3A_63, %dma_start3A_64] : memref<1x112xi32, #tpu.memory_space<vmem>> -> memref<1x112xi32, #tpu.memory_space<vmem>>
    %dma_start3A_66 = tpu.memref_squeeze %dma_start3A_65 : memref<1x112xi32, #tpu.memory_space<vmem>> -> memref<112xi32, #tpu.memory_space<vmem>>
    %dma_start3A_67 = arith.constant 0 : i32
    %dma_start3A_68 = arith.constant 0 : i32
    %dma_start3A_69 = tpu.memref_slice %arg13[%dma_start3A_67, %dma_start3A_68] : memref<10112x128xf32, #tpu.memory_space<vmem_shared>> -> memref<10112x128xf32, #tpu.memory_space<vmem_shared>>
    tpu.enqueue_indirect_dma source(%arg11 : memref<112x128xf32, #tpu.memory_space<vmem>>) target(%dma_start3A_69 : memref<10112x128xf32, #tpu.memory_space<vmem_shared>>) offsets(%dma_start3A_66 : memref<112xi32, #tpu.memory_space<vmem>>) semaphore(%arg20 : memref<!tpu.dma_semaphore, #tpu.memory_space<semaphore_mem>>) {add = true}
    %dma_start3A_70 = arith.constant 1 : i32
    %dma_start3A_71 = arith.constant 0 : i32
    %dma_start3A_72 = tpu.memref_slice %arg4[%add3A, %dma_start3A_70, %dma_start3A_71] : memref<32x92x112xi32, #tpu.memory_space<hbm>> -> memref<1x1x112xi32, #tpu.memory_space<hbm>>
    %dma_start3A_73 = tpu.memref_squeeze %dma_start3A_72 : memref<1x1x112xi32, #tpu.memory_space<hbm>> -> memref<1x112xi32, #tpu.memory_space<hbm>>
    %dma_start3A_74 = arith.constant 1 : i32
    %dma_start3A_75 = arith.constant 0 : i32
    %dma_start3A_76 = tpu.memref_slice %arg4[%add3A, %dma_start3A_74, %dma_start3A_75] : memref<32x92x112xi32, #tpu.memory_space<hbm>> -> memref<1x1x112xi32, #tpu.memory_space<hbm>>
    %dma_start3A_77 = tpu.memref_squeeze %dma_start3A_76 : memref<1x1x112xi32, #tpu.memory_space<hbm>> -> memref<1x112xi32, #tpu.memory_space<hbm>>
    tpu.enqueue_dma source(%dma_start3A_77 : memref<1x112xi32, #tpu.memory_space<hbm>>) target(%arg10 : memref<1x112xi32, #tpu.memory_space<vmem>>) target_semaphore(%arg17 : memref<!tpu.dma_semaphore, #tpu.memory_space<semaphore_mem>>)
    %dma_wait3A_78 = arith.constant 1 : i32
    %dma_wait3A_79 = arith.constant 0 : i32
    %dma_wait3A_80 = tpu.memref_slice %arg3[%add3A, %dma_wait3A_78, %dma_wait3A_79] : memref<32x92x112xi32, #tpu.memory_space<hbm>> -> memref<1x1x112xi32, #tpu.memory_space<hbm>>
    %dma_wait3A_81 = tpu.memref_squeeze %dma_wait3A_80 : memref<1x1x112xi32, #tpu.memory_space<hbm>> -> memref<1x112xi32, #tpu.memory_space<hbm>>
    %dma_wait3A_82 = arith.constant 1 : i32
    %dma_wait3A_83 = arith.constant 0 : i32
    %dma_wait3A_84 = tpu.memref_slice %arg3[%add3A, %dma_wait3A_82, %dma_wait3A_83] : memref<32x92x112xi32, #tpu.memory_space<hbm>> -> memref<1x1x112xi32, #tpu.memory_space<hbm>>
    %dma_wait3A_85 = tpu.memref_squeeze %dma_wait3A_84 : memref<1x1x112xi32, #tpu.memory_space<hbm>> -> memref<1x112xi32, #tpu.memory_space<hbm>>
    tpu.wait_dma2 semaphore(%arg15 : memref<!tpu.dma_semaphore, #tpu.memory_space<semaphore_mem>>) src(%dma_wait3A_85 : memref<1x112xi32, #tpu.memory_space<hbm>>) dst(%arg8 : memref<1x112xi32, #tpu.memory_space<vmem>>)
    %dma_start3A_86 = arith.constant 0 : i32
    %dma_start3A_87 = arith.constant 0 : i32
    %dma_start3A_88 = tpu.memref_slice %arg8[%dma_start3A_86, %dma_start3A_87] : memref<1x112xi32, #tpu.memory_space<vmem>> -> memref<1x112xi32, #tpu.memory_space<vmem>>
    %dma_start3A_89 = tpu.memref_squeeze %dma_start3A_88 : memref<1x112xi32, #tpu.memory_space<vmem>> -> memref<112xi32, #tpu.memory_space<vmem>>
    %dma_start3A_90 = arith.constant 0 : i32
    %dma_start3A_91 = arith.constant 0 : i32
    %dma_start3A_92 = tpu.memref_slice %arg2[%dma_start3A_90, %dma_start3A_91] : memref<10000x128xf32, #tpu.memory_space<hbm>> -> memref<10000x128xf32, #tpu.memory_space<hbm>>
    tpu.enqueue_indirect_dma source(%dma_start3A_92 : memref<10000x128xf32, #tpu.memory_space<hbm>>) target(%arg12 : memref<112x128xf32, #tpu.memory_space<vmem>>) offsets(%dma_start3A_89 : memref<112xi32, #tpu.memory_space<vmem>>) semaphore(%arg19 : memref<!tpu.dma_semaphore, #tpu.memory_space<semaphore_mem>>)
    %dma_wait3A_93 = arith.constant 0 : i32
    %dma_wait3A_94 = arith.constant 0 : i32
    %dma_wait3A_95 = tpu.memref_slice %arg8[%dma_wait3A_93, %dma_wait3A_94] : memref<1x112xi32, #tpu.memory_space<vmem>> -> memref<1x112xi32, #tpu.memory_space<vmem>>
    %dma_wait3A_96 = tpu.memref_squeeze %dma_wait3A_95 : memref<1x112xi32, #tpu.memory_space<vmem>> -> memref<112xi32, #tpu.memory_space<vmem>>
    %dma_wait3A_97 = arith.constant 0 : i32
    %dma_wait3A_98 = arith.constant 0 : i32
    %dma_wait3A_99 = tpu.memref_slice %arg2[%dma_wait3A_97, %dma_wait3A_98] : memref<10000x128xf32, #tpu.memory_space<hbm>> -> memref<10000x128xf32, #tpu.memory_space<hbm>>
    tpu.wait_indirect_dma semaphore(%arg19 : memref<!tpu.dma_semaphore, #tpu.memory_space<semaphore_mem>>) src(%dma_wait3A_99 : memref<10000x128xf32, #tpu.memory_space<hbm>>) dst(%arg12 : memref<112x128xf32, #tpu.memory_space<vmem>>)
    %dma_start3A_100 = arith.constant 3 : i32
    %dma_start3A_101 = arith.constant 0 : i32
    %dma_start3A_102 = tpu.memref_slice %arg3[%add3A, %dma_start3A_100, %dma_start3A_101] : memref<32x92x112xi32, #tpu.memory_space<hbm>> -> memref<1x1x112xi32, #tpu.memory_space<hbm>>
    %dma_start3A_103 = tpu.memref_squeeze %dma_start3A_102 : memref<1x1x112xi32, #tpu.memory_space<hbm>> -> memref<1x112xi32, #tpu.memory_space<hbm>>
    %dma_start3A_104 = arith.constant 3 : i32
    %dma_start3A_105 = arith.constant 0 : i32
    %dma_start3A_106 = tpu.memref_slice %arg3[%add3A, %dma_start3A_104, %dma_start3A_105] : memref<32x92x112xi32, #tpu.memory_space<hbm>> -> memref<1x1x112xi32, #tpu.memory_space<hbm>>
    %dma_start3A_107 = tpu.memref_squeeze %dma_start3A_106 : memref<1x1x112xi32, #tpu.memory_space<hbm>> -> memref<1x112xi32, #tpu.memory_space<hbm>>
    tpu.enqueue_dma source(%dma_start3A_107 : memref<1x112xi32, #tpu.memory_space<hbm>>) target(%arg8 : memref<1x112xi32, #tpu.memory_space<vmem>>) target_semaphore(%arg15 : memref<!tpu.dma_semaphore, #tpu.memory_space<semaphore_mem>>)
    %dma_wait3A_108 = arith.constant 1 : i32
    %dma_wait3A_109 = arith.constant 0 : i32
    %dma_wait3A_110 = tpu.memref_slice %arg4[%add3A, %dma_wait3A_108, %dma_wait3A_109] : memref<32x92x112xi32, #tpu.memory_space<hbm>> -> memref<1x1x112xi32, #tpu.memory_space<hbm>>
    %dma_wait3A_111 = tpu.memref_squeeze %dma_wait3A_110 : memref<1x1x112xi32, #tpu.memory_space<hbm>> -> memref<1x112xi32, #tpu.memory_space<hbm>>
    %dma_wait3A_112 = arith.constant 1 : i32
    %dma_wait3A_113 = arith.constant 0 : i32
    %dma_wait3A_114 = tpu.memref_slice %arg4[%add3A, %dma_wait3A_112, %dma_wait3A_113] : memref<32x92x112xi32, #tpu.memory_space<hbm>> -> memref<1x1x112xi32, #tpu.memory_space<hbm>>
    %dma_wait3A_115 = tpu.memref_squeeze %dma_wait3A_114 : memref<1x1x112xi32, #tpu.memory_space<hbm>> -> memref<1x112xi32, #tpu.memory_space<hbm>>
    tpu.wait_dma2 semaphore(%arg17 : memref<!tpu.dma_semaphore, #tpu.memory_space<semaphore_mem>>) src(%dma_wait3A_115 : memref<1x112xi32, #tpu.memory_space<hbm>>) dst(%arg10 : memref<1x112xi32, #tpu.memory_space<vmem>>)
    %dma_start3A_116 = arith.constant 0 : i32
    %dma_start3A_117 = arith.constant 0 : i32
    %dma_start3A_118 = tpu.memref_slice %arg10[%dma_start3A_116, %dma_start3A_117] : memref<1x112xi32, #tpu.memory_space<vmem>> -> memref<1x112xi32, #tpu.memory_space<vmem>>
    %dma_start3A_119 = tpu.memref_squeeze %dma_start3A_118 : memref<1x112xi32, #tpu.memory_space<vmem>> -> memref<112xi32, #tpu.memory_space<vmem>>
    %dma_start3A_120 = arith.constant 0 : i32
    %dma_start3A_121 = arith.constant 0 : i32
    %dma_start3A_122 = tpu.memref_slice %arg13[%dma_start3A_120, %dma_start3A_121] : memref<10112x128xf32, #tpu.memory_space<vmem_shared>> -> memref<10112x128xf32, #tpu.memory_space<vmem_shared>>
    tpu.enqueue_indirect_dma source(%arg12 : memref<112x128xf32, #tpu.memory_space<vmem>>) target(%dma_start3A_122 : memref<10112x128xf32, #tpu.memory_space<vmem_shared>>) offsets(%dma_start3A_119 : memref<112xi32, #tpu.memory_space<vmem>>) semaphore(%arg21 : memref<!tpu.dma_semaphore, #tpu.memory_space<semaphore_mem>>) {add = true}
    %dma_wait3A_123 = arith.constant 0 : i32
    %dma_wait3A_124 = arith.constant 0 : i32
    %dma_wait3A_125 = tpu.memref_slice %arg9[%dma_wait3A_123, %dma_wait3A_124] : memref<1x112xi32, #tpu.memory_space<vmem>> -> memref<1x112xi32, #tpu.memory_space<vmem>>
    %dma_wait3A_126 = tpu.memref_squeeze %dma_wait3A_125 : memref<1x112xi32, #tpu.memory_space<vmem>> -> memref<112xi32, #tpu.memory_space<vmem>>
    %dma_wait3A_127 = arith.constant 0 : i32
    %dma_wait3A_128 = arith.constant 0 : i32
    %dma_wait3A_129 = tpu.memref_slice %arg13[%dma_wait3A_127, %dma_wait3A_128] : memref<10112x128xf32, #tpu.memory_space<vmem_shared>> -> memref<10112x128xf32, #tpu.memory_space<vmem_shared>>
    tpu.wait_indirect_dma semaphore(%arg20 : memref<!tpu.dma_semaphore, #tpu.memory_space<semaphore_mem>>) src(%arg11 : memref<112x128xf32, #tpu.memory_space<vmem>>) dst(%dma_wait3A_129 : memref<10112x128xf32, #tpu.memory_space<vmem_shared>>)
    %dma_start3A_130 = arith.constant 2 : i32
    %dma_start3A_131 = arith.constant 0 : i32
    %dma_start3A_132 = tpu.memref_slice %arg4[%add3A, %dma_start3A_130, %dma_start3A_131] : memref<32x92x112xi32, #tpu.memory_space<hbm>> -> memref<1x1x112xi32, #tpu.memory_space<hbm>>
    %dma_start3A_133 = tpu.memref_squeeze %dma_start3A_132 : memref<1x1x112xi32, #tpu.memory_space<hbm>> -> memref<1x112xi32, #tpu.memory_space<hbm>>
    %dma_start3A_134 = arith.constant 2 : i32
    %dma_start3A_135 = arith.constant 0 : i32
    %dma_start3A_136 = tpu.memref_slice %arg4[%add3A, %dma_start3A_134, %dma_start3A_135] : memref<32x92x112xi32, #tpu.memory_space<hbm>> -> memref<1x1x112xi32, #tpu.memory_space<hbm>>
    %dma_start3A_137 = tpu.memref_squeeze %dma_start3A_136 : memref<1x1x112xi32, #tpu.memory_space<hbm>> -> memref<1x112xi32, #tpu.memory_space<hbm>>
    tpu.enqueue_dma source(%dma_start3A_137 : memref<1x112xi32, #tpu.memory_space<hbm>>) target(%arg9 : memref<1x112xi32, #tpu.memory_space<vmem>>) target_semaphore(%arg16 : memref<!tpu.dma_semaphore, #tpu.memory_space<semaphore_mem>>)
    %dma_wait3A_138 = arith.constant 2 : i32
    %dma_wait3A_139 = arith.constant 0 : i32
    %dma_wait3A_140 = tpu.memref_slice %arg3[%add3A, %dma_wait3A_138, %dma_wait3A_139] : memref<32x92x112xi32, #tpu.memory_space<hbm>> -> memref<1x1x112xi32, #tpu.memory_space<hbm>>
    %dma_wait3A_141 = tpu.memref_squeeze %dma_wait3A_140 : memref<1x1x112xi32, #tpu.memory_space<hbm>> -> memref<1x112xi32, #tpu.memory_space<hbm>>
    %dma_wait3A_142 = arith.constant 2 : i32
    %dma_wait3A_143 = arith.constant 0 : i32
    %dma_wait3A_144 = tpu.memref_slice %arg3[%add3A, %dma_wait3A_142, %dma_wait3A_143] : memref<32x92x112xi32, #tpu.memory_space<hbm>> -> memref<1x1x112xi32, #tpu.memory_space<hbm>>
    %dma_wait3A_145 = tpu.memref_squeeze %dma_wait3A_144 : memref<1x1x112xi32, #tpu.memory_space<hbm>> -> memref<1x112xi32, #tpu.memory_space<hbm>>
    tpu.wait_dma2 semaphore(%arg14 : memref<!tpu.dma_semaphore, #tpu.memory_space<semaphore_mem>>) src(%dma_wait3A_145 : memref<1x112xi32, #tpu.memory_space<hbm>>) dst(%arg7 : memref<1x112xi32, #tpu.memory_space<vmem>>)
    %dma_start3A_146 = arith.constant 0 : i32
    %dma_start3A_147 = arith.constant 0 : i32
    %dma_start3A_148 = tpu.memref_slice %arg7[%dma_start3A_146, %dma_start3A_147] : memref<1x112xi32, #tpu.memory_space<vmem>> -> memref<1x112xi32, #tpu.memory_space<vmem>>
    %dma_start3A_149 = tpu.memref_squeeze %dma_start3A_148 : memref<1x112xi32, #tpu.memory_space<vmem>> -> memref<112xi32, #tpu.memory_space<vmem>>
    %dma_start3A_150 = arith.constant 0 : i32
    %dma_start3A_151 = arith.constant 0 : i32
    %dma_start3A_152 = tpu.memref_slice %arg2[%dma_start3A_150, %dma_start3A_151] : memref<10000x128xf32, #tpu.memory_space<hbm>> -> memref<10000x128xf32, #tpu.memory_space<hbm>>
    tpu.enqueue_indirect_dma source(%dma_start3A_152 : memref<10000x128xf32, #tpu.memory_space<hbm>>) target(%arg11 : memref<112x128xf32, #tpu.memory_space<vmem>>) offsets(%dma_start3A_149 : memref<112xi32, #tpu.memory_space<vmem>>) semaphore(%arg18 : memref<!tpu.dma_semaphore, #tpu.memory_space<semaphore_mem>>)
    %scan3A = arith.constant 0 : i32
    %scan3A_153 = arith.constant 1 : i32
    %scan3A_154 = arith.constant 44 : i32
    %scan3A_155 = arith.addi %scan3A_153, %scan3A_154 : i32
    %scan3A_156 = arith.constant 1 : i32
    scf.for %scan3A_192 = %scan3A_153 to %scan3A_155 step %scan3A_156  : i32 {
      %mul3A_193 = arith.constant 2 : i32
      %mul3A_194 = arith.muli %mul3A_193, %scan3A_192 : i32
      %add3A_195 = arith.constant 0 : i32
      %add3A_196 = arith.addi %mul3A_194, %add3A_195 : i32
      %dma_wait3A_197 = arith.constant 0 : i32
      %dma_wait3A_198 = arith.constant 0 : i32
      %dma_wait3A_199 = tpu.memref_slice %arg7[%dma_wait3A_197, %dma_wait3A_198] : memref<1x112xi32, #tpu.memory_space<vmem>> -> memref<1x112xi32, #tpu.memory_space<vmem>>
      %dma_wait3A_200 = tpu.memref_squeeze %dma_wait3A_199 : memref<1x112xi32, #tpu.memory_space<vmem>> -> memref<112xi32, #tpu.memory_space<vmem>>
      %dma_wait3A_201 = arith.constant 0 : i32
      %dma_wait3A_202 = arith.constant 0 : i32
      %dma_wait3A_203 = tpu.memref_slice %arg2[%dma_wait3A_201, %dma_wait3A_202] : memref<10000x128xf32, #tpu.memory_space<hbm>> -> memref<10000x128xf32, #tpu.memory_space<hbm>>
      tpu.wait_indirect_dma semaphore(%arg18 : memref<!tpu.dma_semaphore, #tpu.memory_space<semaphore_mem>>) src(%dma_wait3A_203 : memref<10000x128xf32, #tpu.memory_space<hbm>>) dst(%arg11 : memref<112x128xf32, #tpu.memory_space<vmem>>)
      %add3A_204 = arith.constant 2 : i32
      %add3A_205 = arith.addi %add3A_196, %add3A_204 : i32
      %dma_start3A_206 = arith.constant 0 : i32
      %dma_start3A_207 = tpu.memref_slice %arg3[%add3A, %add3A_205, %dma_start3A_206] : memref<32x92x112xi32, #tpu.memory_space<hbm>> -> memref<1x1x112xi32, #tpu.memory_space<hbm>>
      %dma_start3A_208 = tpu.memref_squeeze %dma_start3A_207 : memref<1x1x112xi32, #tpu.memory_space<hbm>> -> memref<1x112xi32, #tpu.memory_space<hbm>>
      %dma_start3A_209 = arith.constant 0 : i32
      %dma_start3A_210 = tpu.memref_slice %arg3[%add3A, %add3A_205, %dma_start3A_209] : memref<32x92x112xi32, #tpu.memory_space<hbm>> -> memref<1x1x112xi32, #tpu.memory_space<hbm>>
      %dma_start3A_211 = tpu.memref_squeeze %dma_start3A_210 : memref<1x1x112xi32, #tpu.memory_space<hbm>> -> memref<1x112xi32, #tpu.memory_space<hbm>>
      tpu.enqueue_dma source(%dma_start3A_211 : memref<1x112xi32, #tpu.memory_space<hbm>>) target(%arg7 : memref<1x112xi32, #tpu.memory_space<vmem>>) target_semaphore(%arg14 : memref<!tpu.dma_semaphore, #tpu.memory_space<semaphore_mem>>)
      %dma_wait3A_212 = arith.constant 0 : i32
      %dma_wait3A_213 = tpu.memref_slice %arg4[%add3A, %add3A_196, %dma_wait3A_212] : memref<32x92x112xi32, #tpu.memory_space<hbm>> -> memref<1x1x112xi32, #tpu.memory_space<hbm>>
      %dma_wait3A_214 = tpu.memref_squeeze %dma_wait3A_213 : memref<1x1x112xi32, #tpu.memory_space<hbm>> -> memref<1x112xi32, #tpu.memory_space<hbm>>
      %dma_wait3A_215 = arith.constant 0 : i32
      %dma_wait3A_216 = tpu.memref_slice %arg4[%add3A, %add3A_196, %dma_wait3A_215] : memref<32x92x112xi32, #tpu.memory_space<hbm>> -> memref<1x1x112xi32, #tpu.memory_space<hbm>>
      %dma_wait3A_217 = tpu.memref_squeeze %dma_wait3A_216 : memref<1x1x112xi32, #tpu.memory_space<hbm>> -> memref<1x112xi32, #tpu.memory_space<hbm>>
      tpu.wait_dma2 semaphore(%arg16 : memref<!tpu.dma_semaphore, #tpu.memory_space<semaphore_mem>>) src(%dma_wait3A_217 : memref<1x112xi32, #tpu.memory_space<hbm>>) dst(%arg9 : memref<1x112xi32, #tpu.memory_space<vmem>>)
      %dma_start3A_218 = arith.constant 0 : i32
      %dma_start3A_219 = arith.constant 0 : i32
      %dma_start3A_220 = tpu.memref_slice %arg9[%dma_start3A_218, %dma_start3A_219] : memref<1x112xi32, #tpu.memory_space<vmem>> -> memref<1x112xi32, #tpu.memory_space<vmem>>
      %dma_start3A_221 = tpu.memref_squeeze %dma_start3A_220 : memref<1x112xi32, #tpu.memory_space<vmem>> -> memref<112xi32, #tpu.memory_space<vmem>>
      %dma_start3A_222 = arith.constant 0 : i32
      %dma_start3A_223 = arith.constant 0 : i32
      %dma_start3A_224 = tpu.memref_slice %arg13[%dma_start3A_222, %dma_start3A_223] : memref<10112x128xf32, #tpu.memory_space<vmem_shared>> -> memref<10112x128xf32, #tpu.memory_space<vmem_shared>>
      tpu.enqueue_indirect_dma source(%arg11 : memref<112x128xf32, #tpu.memory_space<vmem>>) target(%dma_start3A_224 : memref<10112x128xf32, #tpu.memory_space<vmem_shared>>) offsets(%dma_start3A_221 : memref<112xi32, #tpu.memory_space<vmem>>) semaphore(%arg20 : memref<!tpu.dma_semaphore, #tpu.memory_space<semaphore_mem>>) {add = true}
      %dma_wait3A_225 = arith.constant 0 : i32
      %dma_wait3A_226 = arith.constant 0 : i32
      %dma_wait3A_227 = tpu.memref_slice %arg10[%dma_wait3A_225, %dma_wait3A_226] : memref<1x112xi32, #tpu.memory_space<vmem>> -> memref<1x112xi32, #tpu.memory_space<vmem>>
      %dma_wait3A_228 = tpu.memref_squeeze %dma_wait3A_227 : memref<1x112xi32, #tpu.memory_space<vmem>> -> memref<112xi32, #tpu.memory_space<vmem>>
      %dma_wait3A_229 = arith.constant 0 : i32
      %dma_wait3A_230 = arith.constant 0 : i32
      %dma_wait3A_231 = tpu.memref_slice %arg13[%dma_wait3A_229, %dma_wait3A_230] : memref<10112x128xf32, #tpu.memory_space<vmem_shared>> -> memref<10112x128xf32, #tpu.memory_space<vmem_shared>>
      tpu.wait_indirect_dma semaphore(%arg21 : memref<!tpu.dma_semaphore, #tpu.memory_space<semaphore_mem>>) src(%arg12 : memref<112x128xf32, #tpu.memory_space<vmem>>) dst(%dma_wait3A_231 : memref<10112x128xf32, #tpu.memory_space<vmem_shared>>)
      %add3A_232 = arith.constant 1 : i32
      %add3A_233 = arith.addi %add3A_196, %add3A_232 : i32
      %dma_start3A_234 = arith.constant 0 : i32
      %dma_start3A_235 = tpu.memref_slice %arg4[%add3A, %add3A_233, %dma_start3A_234] : memref<32x92x112xi32, #tpu.memory_space<hbm>> -> memref<1x1x112xi32, #tpu.memory_space<hbm>>
      %dma_start3A_236 = tpu.memref_squeeze %dma_start3A_235 : memref<1x1x112xi32, #tpu.memory_space<hbm>> -> memref<1x112xi32, #tpu.memory_space<hbm>>
      %dma_start3A_237 = arith.constant 0 : i32
      %dma_start3A_238 = tpu.memref_slice %arg4[%add3A, %add3A_233, %dma_start3A_237] : memref<32x92x112xi32, #tpu.memory_space<hbm>> -> memref<1x1x112xi32, #tpu.memory_space<hbm>>
      %dma_start3A_239 = tpu.memref_squeeze %dma_start3A_238 : memref<1x1x112xi32, #tpu.memory_space<hbm>> -> memref<1x112xi32, #tpu.memory_space<hbm>>
      tpu.enqueue_dma source(%dma_start3A_239 : memref<1x112xi32, #tpu.memory_space<hbm>>) target(%arg10 : memref<1x112xi32, #tpu.memory_space<vmem>>) target_semaphore(%arg17 : memref<!tpu.dma_semaphore, #tpu.memory_space<semaphore_mem>>)
      %add3A_240 = arith.constant 1 : i32
      %add3A_241 = arith.addi %add3A_196, %add3A_240 : i32
      %dma_wait3A_242 = arith.constant 0 : i32
      %dma_wait3A_243 = tpu.memref_slice %arg3[%add3A, %add3A_241, %dma_wait3A_242] : memref<32x92x112xi32, #tpu.memory_space<hbm>> -> memref<1x1x112xi32, #tpu.memory_space<hbm>>
      %dma_wait3A_244 = tpu.memref_squeeze %dma_wait3A_243 : memref<1x1x112xi32, #tpu.memory_space<hbm>> -> memref<1x112xi32, #tpu.memory_space<hbm>>
      %dma_wait3A_245 = arith.constant 0 : i32
      %dma_wait3A_246 = tpu.memref_slice %arg3[%add3A, %add3A_241, %dma_wait3A_245] : memref<32x92x112xi32, #tpu.memory_space<hbm>> -> memref<1x1x112xi32, #tpu.memory_space<hbm>>
      %dma_wait3A_247 = tpu.memref_squeeze %dma_wait3A_246 : memref<1x1x112xi32, #tpu.memory_space<hbm>> -> memref<1x112xi32, #tpu.memory_space<hbm>>
      tpu.wait_dma2 semaphore(%arg15 : memref<!tpu.dma_semaphore, #tpu.memory_space<semaphore_mem>>) src(%dma_wait3A_247 : memref<1x112xi32, #tpu.memory_space<hbm>>) dst(%arg8 : memref<1x112xi32, #tpu.memory_space<vmem>>)
      %dma_start3A_248 = arith.constant 0 : i32
      %dma_start3A_249 = arith.constant 0 : i32
      %dma_start3A_250 = tpu.memref_slice %arg8[%dma_start3A_248, %dma_start3A_249] : memref<1x112xi32, #tpu.memory_space<vmem>> -> memref<1x112xi32, #tpu.memory_space<vmem>>
      %dma_start3A_251 = tpu.memref_squeeze %dma_start3A_250 : memref<1x112xi32, #tpu.memory_space<vmem>> -> memref<112xi32, #tpu.memory_space<vmem>>
      %dma_start3A_252 = arith.constant 0 : i32
      %dma_start3A_253 = arith.constant 0 : i32
      %dma_start3A_254 = tpu.memref_slice %arg2[%dma_start3A_252, %dma_start3A_253] : memref<10000x128xf32, #tpu.memory_space<hbm>> -> memref<10000x128xf32, #tpu.memory_space<hbm>>
      tpu.enqueue_indirect_dma source(%dma_start3A_254 : memref<10000x128xf32, #tpu.memory_space<hbm>>) target(%arg12 : memref<112x128xf32, #tpu.memory_space<vmem>>) offsets(%dma_start3A_251 : memref<112xi32, #tpu.memory_space<vmem>>) semaphore(%arg19 : memref<!tpu.dma_semaphore, #tpu.memory_space<semaphore_mem>>)
      %mul3A_255 = arith.constant 2 : i32
      %mul3A_256 = arith.muli %mul3A_255, %scan3A_192 : i32
      %add3A_257 = arith.constant 1 : i32
      %add3A_258 = arith.addi %mul3A_256, %add3A_257 : i32
      %dma_wait3A_259 = arith.constant 0 : i32
      %dma_wait3A_260 = arith.constant 0 : i32
      %dma_wait3A_261 = tpu.memref_slice %arg8[%dma_wait3A_259, %dma_wait3A_260] : memref<1x112xi32, #tpu.memory_space<vmem>> -> memref<1x112xi32, #tpu.memory_space<vmem>>
      %dma_wait3A_262 = tpu.memref_squeeze %dma_wait3A_261 : memref<1x112xi32, #tpu.memory_space<vmem>> -> memref<112xi32, #tpu.memory_space<vmem>>
      %dma_wait3A_263 = arith.constant 0 : i32
      %dma_wait3A_264 = arith.constant 0 : i32
      %dma_wait3A_265 = tpu.memref_slice %arg2[%dma_wait3A_263, %dma_wait3A_264] : memref<10000x128xf32, #tpu.memory_space<hbm>> -> memref<10000x128xf32, #tpu.memory_space<hbm>>
      tpu.wait_indirect_dma semaphore(%arg19 : memref<!tpu.dma_semaphore, #tpu.memory_space<semaphore_mem>>) src(%dma_wait3A_265 : memref<10000x128xf32, #tpu.memory_space<hbm>>) dst(%arg12 : memref<112x128xf32, #tpu.memory_space<vmem>>)
      %add3A_266 = arith.constant 2 : i32
      %add3A_267 = arith.addi %add3A_258, %add3A_266 : i32
      %dma_start3A_268 = arith.constant 0 : i32
      %dma_start3A_269 = tpu.memref_slice %arg3[%add3A, %add3A_267, %dma_start3A_268] : memref<32x92x112xi32, #tpu.memory_space<hbm>> -> memref<1x1x112xi32, #tpu.memory_space<hbm>>
      %dma_start3A_270 = tpu.memref_squeeze %dma_start3A_269 : memref<1x1x112xi32, #tpu.memory_space<hbm>> -> memref<1x112xi32, #tpu.memory_space<hbm>>
      %dma_start3A_271 = arith.constant 0 : i32
      %dma_start3A_272 = tpu.memref_slice %arg3[%add3A, %add3A_267, %dma_start3A_271] : memref<32x92x112xi32, #tpu.memory_space<hbm>> -> memref<1x1x112xi32, #tpu.memory_space<hbm>>
      %dma_start3A_273 = tpu.memref_squeeze %dma_start3A_272 : memref<1x1x112xi32, #tpu.memory_space<hbm>> -> memref<1x112xi32, #tpu.memory_space<hbm>>
      tpu.enqueue_dma source(%dma_start3A_273 : memref<1x112xi32, #tpu.memory_space<hbm>>) target(%arg8 : memref<1x112xi32, #tpu.memory_space<vmem>>) target_semaphore(%arg15 : memref<!tpu.dma_semaphore, #tpu.memory_space<semaphore_mem>>)
      %dma_wait3A_274 = arith.constant 0 : i32
      %dma_wait3A_275 = tpu.memref_slice %arg4[%add3A, %add3A_258, %dma_wait3A_274] : memref<32x92x112xi32, #tpu.memory_space<hbm>> -> memref<1x1x112xi32, #tpu.memory_space<hbm>>
      %dma_wait3A_276 = tpu.memref_squeeze %dma_wait3A_275 : memref<1x1x112xi32, #tpu.memory_space<hbm>> -> memref<1x112xi32, #tpu.memory_space<hbm>>
      %dma_wait3A_277 = arith.constant 0 : i32
      %dma_wait3A_278 = tpu.memref_slice %arg4[%add3A, %add3A_258, %dma_wait3A_277] : memref<32x92x112xi32, #tpu.memory_space<hbm>> -> memref<1x1x112xi32, #tpu.memory_space<hbm>>
      %dma_wait3A_279 = tpu.memref_squeeze %dma_wait3A_278 : memref<1x1x112xi32, #tpu.memory_space<hbm>> -> memref<1x112xi32, #tpu.memory_space<hbm>>
      tpu.wait_dma2 semaphore(%arg17 : memref<!tpu.dma_semaphore, #tpu.memory_space<semaphore_mem>>) src(%dma_wait3A_279 : memref<1x112xi32, #tpu.memory_space<hbm>>) dst(%arg10 : memref<1x112xi32, #tpu.memory_space<vmem>>)
      %dma_start3A_280 = arith.constant 0 : i32
      %dma_start3A_281 = arith.constant 0 : i32
      %dma_start3A_282 = tpu.memref_slice %arg10[%dma_start3A_280, %dma_start3A_281] : memref<1x112xi32, #tpu.memory_space<vmem>> -> memref<1x112xi32, #tpu.memory_space<vmem>>
      %dma_start3A_283 = tpu.memref_squeeze %dma_start3A_282 : memref<1x112xi32, #tpu.memory_space<vmem>> -> memref<112xi32, #tpu.memory_space<vmem>>
      %dma_start3A_284 = arith.constant 0 : i32
      %dma_start3A_285 = arith.constant 0 : i32
      %dma_start3A_286 = tpu.memref_slice %arg13[%dma_start3A_284, %dma_start3A_285] : memref<10112x128xf32, #tpu.memory_space<vmem_shared>> -> memref<10112x128xf32, #tpu.memory_space<vmem_shared>>
      tpu.enqueue_indirect_dma source(%arg12 : memref<112x128xf32, #tpu.memory_space<vmem>>) target(%dma_start3A_286 : memref<10112x128xf32, #tpu.memory_space<vmem_shared>>) offsets(%dma_start3A_283 : memref<112xi32, #tpu.memory_space<vmem>>) semaphore(%arg21 : memref<!tpu.dma_semaphore, #tpu.memory_space<semaphore_mem>>) {add = true}
      %dma_wait3A_287 = arith.constant 0 : i32
      %dma_wait3A_288 = arith.constant 0 : i32
      %dma_wait3A_289 = tpu.memref_slice %arg9[%dma_wait3A_287, %dma_wait3A_288] : memref<1x112xi32, #tpu.memory_space<vmem>> -> memref<1x112xi32, #tpu.memory_space<vmem>>
      %dma_wait3A_290 = tpu.memref_squeeze %dma_wait3A_289 : memref<1x112xi32, #tpu.memory_space<vmem>> -> memref<112xi32, #tpu.memory_space<vmem>>
      %dma_wait3A_291 = arith.constant 0 : i32
      %dma_wait3A_292 = arith.constant 0 : i32
      %dma_wait3A_293 = tpu.memref_slice %arg13[%dma_wait3A_291, %dma_wait3A_292] : memref<10112x128xf32, #tpu.memory_space<vmem_shared>> -> memref<10112x128xf32, #tpu.memory_space<vmem_shared>>
      tpu.wait_indirect_dma semaphore(%arg20 : memref<!tpu.dma_semaphore, #tpu.memory_space<semaphore_mem>>) src(%arg11 : memref<112x128xf32, #tpu.memory_space<vmem>>) dst(%dma_wait3A_293 : memref<10112x128xf32, #tpu.memory_space<vmem_shared>>)
      %add3A_294 = arith.constant 1 : i32
      %add3A_295 = arith.addi %add3A_258, %add3A_294 : i32
      %dma_start3A_296 = arith.constant 0 : i32
      %dma_start3A_297 = tpu.memref_slice %arg4[%add3A, %add3A_295, %dma_start3A_296] : memref<32x92x112xi32, #tpu.memory_space<hbm>> -> memref<1x1x112xi32, #tpu.memory_space<hbm>>
      %dma_start3A_298 = tpu.memref_squeeze %dma_start3A_297 : memref<1x1x112xi32, #tpu.memory_space<hbm>> -> memref<1x112xi32, #tpu.memory_space<hbm>>
      %dma_start3A_299 = arith.constant 0 : i32
      %dma_start3A_300 = tpu.memref_slice %arg4[%add3A, %add3A_295, %dma_start3A_299] : memref<32x92x112xi32, #tpu.memory_space<hbm>> -> memref<1x1x112xi32, #tpu.memory_space<hbm>>
      %dma_start3A_301 = tpu.memref_squeeze %dma_start3A_300 : memref<1x1x112xi32, #tpu.memory_space<hbm>> -> memref<1x112xi32, #tpu.memory_space<hbm>>
      tpu.enqueue_dma source(%dma_start3A_301 : memref<1x112xi32, #tpu.memory_space<hbm>>) target(%arg9 : memref<1x112xi32, #tpu.memory_space<vmem>>) target_semaphore(%arg16 : memref<!tpu.dma_semaphore, #tpu.memory_space<semaphore_mem>>)
      %add3A_302 = arith.constant 1 : i32
      %add3A_303 = arith.addi %add3A_258, %add3A_302 : i32
      %dma_wait3A_304 = arith.constant 0 : i32
      %dma_wait3A_305 = tpu.memref_slice %arg3[%add3A, %add3A_303, %dma_wait3A_304] : memref<32x92x112xi32, #tpu.memory_space<hbm>> -> memref<1x1x112xi32, #tpu.memory_space<hbm>>
      %dma_wait3A_306 = tpu.memref_squeeze %dma_wait3A_305 : memref<1x1x112xi32, #tpu.memory_space<hbm>> -> memref<1x112xi32, #tpu.memory_space<hbm>>
      %dma_wait3A_307 = arith.constant 0 : i32
      %dma_wait3A_308 = tpu.memref_slice %arg3[%add3A, %add3A_303, %dma_wait3A_307] : memref<32x92x112xi32, #tpu.memory_space<hbm>> -> memref<1x1x112xi32, #tpu.memory_space<hbm>>
      %dma_wait3A_309 = tpu.memref_squeeze %dma_wait3A_308 : memref<1x1x112xi32, #tpu.memory_space<hbm>> -> memref<1x112xi32, #tpu.memory_space<hbm>>
      tpu.wait_dma2 semaphore(%arg14 : memref<!tpu.dma_semaphore, #tpu.memory_space<semaphore_mem>>) src(%dma_wait3A_309 : memref<1x112xi32, #tpu.memory_space<hbm>>) dst(%arg7 : memref<1x112xi32, #tpu.memory_space<vmem>>)
      %dma_start3A_310 = arith.constant 0 : i32
      %dma_start3A_311 = arith.constant 0 : i32
      %dma_start3A_312 = tpu.memref_slice %arg7[%dma_start3A_310, %dma_start3A_311] : memref<1x112xi32, #tpu.memory_space<vmem>> -> memref<1x112xi32, #tpu.memory_space<vmem>>
      %dma_start3A_313 = tpu.memref_squeeze %dma_start3A_312 : memref<1x112xi32, #tpu.memory_space<vmem>> -> memref<112xi32, #tpu.memory_space<vmem>>
      %dma_start3A_314 = arith.constant 0 : i32
      %dma_start3A_315 = arith.constant 0 : i32
      %dma_start3A_316 = tpu.memref_slice %arg2[%dma_start3A_314, %dma_start3A_315] : memref<10000x128xf32, #tpu.memory_space<hbm>> -> memref<10000x128xf32, #tpu.memory_space<hbm>>
      tpu.enqueue_indirect_dma source(%dma_start3A_316 : memref<10000x128xf32, #tpu.memory_space<hbm>>) target(%arg11 : memref<112x128xf32, #tpu.memory_space<vmem>>) offsets(%dma_start3A_313 : memref<112xi32, #tpu.memory_space<vmem>>) semaphore(%arg18 : memref<!tpu.dma_semaphore, #tpu.memory_space<semaphore_mem>>)
    }
    %scan3A_157 = arith.constant 44 : i32
    %dma_wait3A_158 = arith.constant 0 : i32
    %dma_wait3A_159 = arith.constant 0 : i32
    %dma_wait3A_160 = tpu.memref_slice %arg7[%dma_wait3A_158, %dma_wait3A_159] : memref<1x112xi32, #tpu.memory_space<vmem>> -> memref<1x112xi32, #tpu.memory_space<vmem>>
    %dma_wait3A_161 = tpu.memref_squeeze %dma_wait3A_160 : memref<1x112xi32, #tpu.memory_space<vmem>> -> memref<112xi32, #tpu.memory_space<vmem>>
    %dma_wait3A_162 = arith.constant 0 : i32
    %dma_wait3A_163 = arith.constant 0 : i32
    %dma_wait3A_164 = tpu.memref_slice %arg2[%dma_wait3A_162, %dma_wait3A_163] : memref<10000x128xf32, #tpu.memory_space<hbm>> -> memref<10000x128xf32, #tpu.memory_space<hbm>>
    tpu.wait_indirect_dma semaphore(%arg18 : memref<!tpu.dma_semaphore, #tpu.memory_space<semaphore_mem>>) src(%dma_wait3A_164 : memref<10000x128xf32, #tpu.memory_space<hbm>>) dst(%arg11 : memref<112x128xf32, #tpu.memory_space<vmem>>)
    %dma_wait3A_165 = arith.constant 0 : i32
    %dma_wait3A_166 = arith.constant 0 : i32
    %dma_wait3A_167 = tpu.memref_slice %arg10[%dma_wait3A_165, %dma_wait3A_166] : memref<1x112xi32, #tpu.memory_space<vmem>> -> memref<1x112xi32, #tpu.memory_space<vmem>>
    %dma_wait3A_168 = tpu.memref_squeeze %dma_wait3A_167 : memref<1x112xi32, #tpu.memory_space<vmem>> -> memref<112xi32, #tpu.memory_space<vmem>>
    %dma_wait3A_169 = arith.constant 0 : i32
    %dma_wait3A_170 = arith.constant 0 : i32
    %dma_wait3A_171 = tpu.memref_slice %arg13[%dma_wait3A_169, %dma_wait3A_170] : memref<10112x128xf32, #tpu.memory_space<vmem_shared>> -> memref<10112x128xf32, #tpu.memory_space<vmem_shared>>
    tpu.wait_indirect_dma semaphore(%arg21 : memref<!tpu.dma_semaphore, #tpu.memory_space<semaphore_mem>>) src(%arg12 : memref<112x128xf32, #tpu.memory_space<vmem>>) dst(%dma_wait3A_171 : memref<10112x128xf32, #tpu.memory_space<vmem_shared>>)
    %dma_wait3A_172 = arith.constant 91 : i32
    %dma_wait3A_173 = arith.constant 0 : i32
    %dma_wait3A_174 = tpu.memref_slice %arg3[%add3A, %dma_wait3A_172, %dma_wait3A_173] : memref<32x92x112xi32, #tpu.memory_space<hbm>> -> memref<1x1x112xi32, #tpu.memory_space<hbm>>
    %dma_wait3A_175 = tpu.memref_squeeze %dma_wait3A_174 : memref<1x1x112xi32, #tpu.memory_space<hbm>> -> memref<1x112xi32, #tpu.memory_space<hbm>>
    %dma_wait3A_176 = arith.constant 91 : i32
    %dma_wait3A_177 = arith.constant 0 : i32
    %dma_wait3A_178 = tpu.memref_slice %arg3[%add3A, %dma_wait3A_176, %dma_wait3A_177] : memref<32x92x112xi32, #tpu.memory_space<hbm>> -> memref<1x1x112xi32, #tpu.memory_space<hbm>>
    %dma_wait3A_179 = tpu.memref_squeeze %dma_wait3A_178 : memref<1x1x112xi32, #tpu.memory_space<hbm>> -> memref<1x112xi32, #tpu.memory_space<hbm>>
    tpu.wait_dma2 semaphore(%arg15 : memref<!tpu.dma_semaphore, #tpu.memory_space<semaphore_mem>>) src(%dma_wait3A_179 : memref<1x112xi32, #tpu.memory_space<hbm>>) dst(%arg8 : memref<1x112xi32, #tpu.memory_space<vmem>>)
    %dma_wait3A_180 = arith.constant 90 : i32
    %dma_wait3A_181 = arith.constant 0 : i32
    %dma_wait3A_182 = tpu.memref_slice %arg4[%add3A, %dma_wait3A_180, %dma_wait3A_181] : memref<32x92x112xi32, #tpu.memory_space<hbm>> -> memref<1x1x112xi32, #tpu.memory_space<hbm>>
    %dma_wait3A_183 = tpu.memref_squeeze %dma_wait3A_182 : memref<1x1x112xi32, #tpu.memory_space<hbm>> -> memref<1x112xi32, #tpu.memory_space<hbm>>
    %dma_wait3A_184 = arith.constant 90 : i32
    %dma_wait3A_185 = arith.constant 0 : i32
    %dma_wait3A_186 = tpu.memref_slice %arg4[%add3A, %dma_wait3A_184, %dma_wait3A_185] : memref<32x92x112xi32, #tpu.memory_space<hbm>> -> memref<1x1x112xi32, #tpu.memory_space<hbm>>
    %dma_wait3A_187 = tpu.memref_squeeze %dma_wait3A_186 : memref<1x1x112xi32, #tpu.memory_space<hbm>> -> memref<1x112xi32, #tpu.memory_space<hbm>>
    tpu.wait_dma2 semaphore(%arg16 : memref<!tpu.dma_semaphore, #tpu.memory_space<semaphore_mem>>) src(%dma_wait3A_187 : memref<1x112xi32, #tpu.memory_space<hbm>>) dst(%arg9 : memref<1x112xi32, #tpu.memory_space<vmem>>)
    %barrier3A_188 = arith.constant 0 : index
    tpu.barrier barrier_id(%barrier3A_188)
    %mul3A_189 = arith.constant 10112 : i32
    %mul3A_190 = arith.muli %arg0, %mul3A_189 : i32
    %add3A_191 = arith.addi %mul3A_190, %mul3A_2 : i32
    "tpu.region"() ({
      %run_scoped3A = tpu.sem_alloc : memref<!tpu.dma_semaphore, #tpu.memory_space<semaphore_mem>>
      %dma_start3A_192 = arith.constant 0 : i32
      %dma_start3A_193 = tpu.memref_slice %arg6[%add3A_191, %dma_start3A_192] : memref<20224x128xf32, #tpu.memory_space<hbm>> -> memref<632x128xf32, #tpu.memory_space<hbm>>
      %dma_start3A_194 = arith.constant 0 : i32
      %dma_start3A_195 = tpu.memref_slice %arg13[%mul3A_2, %dma_start3A_194] : memref<10112x128xf32, #tpu.memory_space<vmem_shared>> -> memref<632x128xf32, #tpu.memory_space<vmem_shared>>
      tpu.enqueue_dma source(%dma_start3A_195 : memref<632x128xf32, #tpu.memory_space<vmem_shared>>) target(%dma_start3A_193 : memref<632x128xf32, #tpu.memory_space<hbm>>) target_semaphore(%run_scoped3A : memref<!tpu.dma_semaphore, #tpu.memory_space<semaphore_mem>>)
      %dma_wait3A_196 = arith.constant 0 : i32
      %dma_wait3A_197 = tpu.memref_slice %arg6[%add3A_191, %dma_wait3A_196] : memref<20224x128xf32, #tpu.memory_space<hbm>> -> memref<632x128xf32, #tpu.memory_space<hbm>>
      %dma_wait3A_198 = arith.constant 0 : i32
      %dma_wait3A_199 = tpu.memref_slice %arg13[%mul3A_2, %dma_wait3A_198] : memref<10112x128xf32, #tpu.memory_space<vmem_shared>> -> memref<632x128xf32, #tpu.memory_space<vmem_shared>>
      tpu.wait_dma2 semaphore(%run_scoped3A : memref<!tpu.dma_semaphore, #tpu.memory_space<semaphore_mem>>) src(%dma_wait3A_199 : memref<632x128xf32, #tpu.memory_space<vmem_shared>>) dst(%dma_wait3A_197 : memref<632x128xf32, #tpu.memory_space<hbm>>)
      tpu.yield
    }) : () -> ()
    return
  }
}

#map = affine_map<(d0, d1) -> (0, 0)>
#map1 = affine_map<(d0, d1) -> (0, 0, 0)>
module attributes {stable_mosaic.version = 14 : i64} {
  func.func @seg_kernel(%arg0: i32, %arg1: i32, %arg2: memref<10000x128xf32, #tpu.memory_space<hbm>>, %arg3: memref<32x92x112xi32, #tpu.memory_space<hbm>>, %arg4: memref<32x92x112xi32, #tpu.memory_space<hbm>>, %arg5: memref<10112x128xf32, #tpu.memory_space<hbm>>, %arg6: memref<20224x128xf32, #tpu.memory_space<hbm>>, %arg7: memref<1x112xi32, #tpu.memory_space<vmem>>, %arg8: memref<1x112xi32, #tpu.memory_space<vmem>>, %arg9: memref<1x112xi32, #tpu.memory_space<vmem>>, %arg10: memref<1x112xi32, #tpu.memory_space<vmem>>, %arg11: memref<112x128xf32, #tpu.memory_space<vmem>>, %arg12: memref<112x128xf32, #tpu.memory_space<vmem>>, %arg13: memref<10112x128xf32, #tpu.memory_space<vmem_shared>>, %arg14: memref<!tpu.dma_semaphore, #tpu.memory_space<semaphore_mem>>, %arg15: memref<!tpu.dma_semaphore, #tpu.memory_space<semaphore_mem>>, %arg16: memref<!tpu.dma_semaphore, #tpu.memory_space<semaphore_mem>>, %arg17: memref<!tpu.dma_semaphore, #tpu.memory_space<semaphore_mem>>, %arg18: memref<!tpu.dma_semaphore, #tpu.memory_space<semaphore_mem>>, %arg19: memref<!tpu.dma_semaphore, #tpu.memory_space<semaphore_mem>>, %arg20: memref<!tpu.dma_semaphore, #tpu.memory_space<semaphore_mem>>, %arg21: memref<!tpu.dma_semaphore, #tpu.memory_space<semaphore_mem>>) attributes {dimension_semantics = [#tpu.dimension_semantics<core_parallel>, #tpu.dimension_semantics<subcore_parallel>], iteration_bounds = array<i64: 2, 16>, scalar_prefetch = 0 : i64, scratch_operands = 15 : i64, tpu.core_type = #tpu.core_type<sc_vector_subcore>, window_params = [{transform_indices = #map}, {transform_indices = #map1}, {transform_indices = #map1}, {transform_indices = #map}, {transform_indices = #map}]} {
    %mul3A = arith.constant 2 : i32
    %mul3A_0 = arith.muli %arg1, %mul3A : i32
    %add3A = arith.addi %mul3A_0, %arg0 : i32
    %mul3A_1 = arith.constant 632 : i32
    %mul3A_2 = arith.muli %arg1, %mul3A_1 : i32
    "tpu.region"() ({
      %run_scoped3A = tpu.sem_alloc : memref<!tpu.dma_semaphore, #tpu.memory_space<semaphore_mem>>
      %dma_start3A_192 = arith.constant 0 : i32
      %dma_start3A_193 = tpu.memref_slice %arg13[%mul3A_2, %dma_start3A_192] : memref<10112x128xf32, #tpu.memory_space<vmem_shared>> -> memref<632x128xf32, #tpu.memory_space<vmem_shared>>
      %dma_start3A_194 = arith.constant 0 : i32
      %dma_start3A_195 = tpu.memref_slice %arg5[%mul3A_2, %dma_start3A_194] : memref<10112x128xf32, #tpu.memory_space<hbm>> -> memref<632x128xf32, #tpu.memory_space<hbm>>
      tpu.enqueue_dma source(%dma_start3A_195 : memref<632x128xf32, #tpu.memory_space<hbm>>) target(%dma_start3A_193 : memref<632x128xf32, #tpu.memory_space<vmem_shared>>) target_semaphore(%run_scoped3A : memref<!tpu.dma_semaphore, #tpu.memory_space<semaphore_mem>>)
      %dma_wait3A_196 = arith.constant 0 : i32
      %dma_wait3A_197 = tpu.memref_slice %arg13[%mul3A_2, %dma_wait3A_196] : memref<10112x128xf32, #tpu.memory_space<vmem_shared>> -> memref<632x128xf32, #tpu.memory_space<vmem_shared>>
      %dma_wait3A_198 = arith.constant 0 : i32
      %dma_wait3A_199 = tpu.memref_slice %arg5[%mul3A_2, %dma_wait3A_198] : memref<10112x128xf32, #tpu.memory_space<hbm>> -> memref<632x128xf32, #tpu.memory_space<hbm>>
      tpu.wait_dma2 semaphore(%run_scoped3A : memref<!tpu.dma_semaphore, #tpu.memory_space<semaphore_mem>>) src(%dma_wait3A_199 : memref<632x128xf32, #tpu.memory_space<hbm>>) dst(%dma_wait3A_197 : memref<632x128xf32, #tpu.memory_space<vmem_shared>>)
      tpu.yield
    }) : () -> ()
    %barrier3A = arith.constant 0 : index
    tpu.barrier barrier_id(%barrier3A)
    %dma_start3A = arith.constant 0 : i32
    %dma_start3A_3 = arith.constant 0 : i32
    %dma_start3A_4 = tpu.memref_slice %arg3[%add3A, %dma_start3A, %dma_start3A_3] : memref<32x92x112xi32, #tpu.memory_space<hbm>> -> memref<1x1x112xi32, #tpu.memory_space<hbm>>
    %dma_start3A_5 = tpu.memref_squeeze %dma_start3A_4 : memref<1x1x112xi32, #tpu.memory_space<hbm>> -> memref<1x112xi32, #tpu.memory_space<hbm>>
    %dma_start3A_6 = arith.constant 0 : i32
    %dma_start3A_7 = arith.constant 0 : i32
    %dma_start3A_8 = tpu.memref_slice %arg3[%add3A, %dma_start3A_6, %dma_start3A_7] : memref<32x92x112xi32, #tpu.memory_space<hbm>> -> memref<1x1x112xi32, #tpu.memory_space<hbm>>
    %dma_start3A_9 = tpu.memref_squeeze %dma_start3A_8 : memref<1x1x112xi32, #tpu.memory_space<hbm>> -> memref<1x112xi32, #tpu.memory_space<hbm>>
    tpu.enqueue_dma source(%dma_start3A_9 : memref<1x112xi32, #tpu.memory_space<hbm>>) target(%arg7 : memref<1x112xi32, #tpu.memory_space<vmem>>) target_semaphore(%arg14 : memref<!tpu.dma_semaphore, #tpu.memory_space<semaphore_mem>>)
    %dma_start3A_10 = arith.constant 1 : i32
    %dma_start3A_11 = arith.constant 0 : i32
    %dma_start3A_12 = tpu.memref_slice %arg3[%add3A, %dma_start3A_10, %dma_start3A_11] : memref<32x92x112xi32, #tpu.memory_space<hbm>> -> memref<1x1x112xi32, #tpu.memory_space<hbm>>
    %dma_start3A_13 = tpu.memref_squeeze %dma_start3A_12 : memref<1x1x112xi32, #tpu.memory_space<hbm>> -> memref<1x112xi32, #tpu.memory_space<hbm>>
    %dma_start3A_14 = arith.constant 1 : i32
    %dma_start3A_15 = arith.constant 0 : i32
    %dma_start3A_16 = tpu.memref_slice %arg3[%add3A, %dma_start3A_14, %dma_start3A_15] : memref<32x92x112xi32, #tpu.memory_space<hbm>> -> memref<1x1x112xi32, #tpu.memory_space<hbm>>
    %dma_start3A_17 = tpu.memref_squeeze %dma_start3A_16 : memref<1x1x112xi32, #tpu.memory_space<hbm>> -> memref<1x112xi32, #tpu.memory_space<hbm>>
    tpu.enqueue_dma source(%dma_start3A_17 : memref<1x112xi32, #tpu.memory_space<hbm>>) target(%arg8 : memref<1x112xi32, #tpu.memory_space<vmem>>) target_semaphore(%arg15 : memref<!tpu.dma_semaphore, #tpu.memory_space<semaphore_mem>>)
    %dma_start3A_18 = arith.constant 0 : i32
    %dma_start3A_19 = arith.constant 0 : i32
    %dma_start3A_20 = tpu.memref_slice %arg4[%add3A, %dma_start3A_18, %dma_start3A_19] : memref<32x92x112xi32, #tpu.memory_space<hbm>> -> memref<1x1x112xi32, #tpu.memory_space<hbm>>
    %dma_start3A_21 = tpu.memref_squeeze %dma_start3A_20 : memref<1x1x112xi32, #tpu.memory_space<hbm>> -> memref<1x112xi32, #tpu.memory_space<hbm>>
    %dma_start3A_22 = arith.constant 0 : i32
    %dma_start3A_23 = arith.constant 0 : i32
    %dma_start3A_24 = tpu.memref_slice %arg4[%add3A, %dma_start3A_22, %dma_start3A_23] : memref<32x92x112xi32, #tpu.memory_space<hbm>> -> memref<1x1x112xi32, #tpu.memory_space<hbm>>
    %dma_start3A_25 = tpu.memref_squeeze %dma_start3A_24 : memref<1x1x112xi32, #tpu.memory_space<hbm>> -> memref<1x112xi32, #tpu.memory_space<hbm>>
    tpu.enqueue_dma source(%dma_start3A_25 : memref<1x112xi32, #tpu.memory_space<hbm>>) target(%arg9 : memref<1x112xi32, #tpu.memory_space<vmem>>) target_semaphore(%arg16 : memref<!tpu.dma_semaphore, #tpu.memory_space<semaphore_mem>>)
    %dma_wait3A = arith.constant 0 : i32
    %dma_wait3A_26 = arith.constant 0 : i32
    %dma_wait3A_27 = tpu.memref_slice %arg3[%add3A, %dma_wait3A, %dma_wait3A_26] : memref<32x92x112xi32, #tpu.memory_space<hbm>> -> memref<1x1x112xi32, #tpu.memory_space<hbm>>
    %dma_wait3A_28 = tpu.memref_squeeze %dma_wait3A_27 : memref<1x1x112xi32, #tpu.memory_space<hbm>> -> memref<1x112xi32, #tpu.memory_space<hbm>>
    %dma_wait3A_29 = arith.constant 0 : i32
    %dma_wait3A_30 = arith.constant 0 : i32
    %dma_wait3A_31 = tpu.memref_slice %arg3[%add3A, %dma_wait3A_29, %dma_wait3A_30] : memref<32x92x112xi32, #tpu.memory_space<hbm>> -> memref<1x1x112xi32, #tpu.memory_space<hbm>>
    %dma_wait3A_32 = tpu.memref_squeeze %dma_wait3A_31 : memref<1x1x112xi32, #tpu.memory_space<hbm>> -> memref<1x112xi32, #tpu.memory_space<hbm>>
    tpu.wait_dma2 semaphore(%arg14 : memref<!tpu.dma_semaphore, #tpu.memory_space<semaphore_mem>>) src(%dma_wait3A_32 : memref<1x112xi32, #tpu.memory_space<hbm>>) dst(%arg7 : memref<1x112xi32, #tpu.memory_space<vmem>>)
    %dma_start3A_33 = arith.constant 0 : i32
    %dma_start3A_34 = arith.constant 0 : i32
    %dma_start3A_35 = tpu.memref_slice %arg7[%dma_start3A_33, %dma_start3A_34] : memref<1x112xi32, #tpu.memory_space<vmem>> -> memref<1x112xi32, #tpu.memory_space<vmem>>
    %dma_start3A_36 = tpu.memref_squeeze %dma_start3A_35 : memref<1x112xi32, #tpu.memory_space<vmem>> -> memref<112xi32, #tpu.memory_space<vmem>>
    %dma_start3A_37 = arith.constant 0 : i32
    %dma_start3A_38 = arith.constant 0 : i32
    %dma_start3A_39 = tpu.memref_slice %arg2[%dma_start3A_37, %dma_start3A_38] : memref<10000x128xf32, #tpu.memory_space<hbm>> -> memref<10000x128xf32, #tpu.memory_space<hbm>>
    tpu.enqueue_indirect_dma source(%dma_start3A_39 : memref<10000x128xf32, #tpu.memory_space<hbm>>) target(%arg11 : memref<112x128xf32, #tpu.memory_space<vmem>>) offsets(%dma_start3A_36 : memref<112xi32, #tpu.memory_space<vmem>>) semaphore(%arg18 : memref<!tpu.dma_semaphore, #tpu.memory_space<semaphore_mem>>)
    %dma_wait3A_40 = arith.constant 0 : i32
    %dma_wait3A_41 = arith.constant 0 : i32
    %dma_wait3A_42 = tpu.memref_slice %arg7[%dma_wait3A_40, %dma_wait3A_41] : memref<1x112xi32, #tpu.memory_space<vmem>> -> memref<1x112xi32, #tpu.memory_space<vmem>>
    %dma_wait3A_43 = tpu.memref_squeeze %dma_wait3A_42 : memref<1x112xi32, #tpu.memory_space<vmem>> -> memref<112xi32, #tpu.memory_space<vmem>>
    %dma_wait3A_44 = arith.constant 0 : i32
    %dma_wait3A_45 = arith.constant 0 : i32
    %dma_wait3A_46 = tpu.memref_slice %arg2[%dma_wait3A_44, %dma_wait3A_45] : memref<10000x128xf32, #tpu.memory_space<hbm>> -> memref<10000x128xf32, #tpu.memory_space<hbm>>
    tpu.wait_indirect_dma semaphore(%arg18 : memref<!tpu.dma_semaphore, #tpu.memory_space<semaphore_mem>>) src(%dma_wait3A_46 : memref<10000x128xf32, #tpu.memory_space<hbm>>) dst(%arg11 : memref<112x128xf32, #tpu.memory_space<vmem>>)
    %dma_start3A_47 = arith.constant 2 : i32
    %dma_start3A_48 = arith.constant 0 : i32
    %dma_start3A_49 = tpu.memref_slice %arg3[%add3A, %dma_start3A_47, %dma_start3A_48] : memref<32x92x112xi32, #tpu.memory_space<hbm>> -> memref<1x1x112xi32, #tpu.memory_space<hbm>>
    %dma_start3A_50 = tpu.memref_squeeze %dma_start3A_49 : memref<1x1x112xi32, #tpu.memory_space<hbm>> -> memref<1x112xi32, #tpu.memory_space<hbm>>
    %dma_start3A_51 = arith.constant 2 : i32
    %dma_start3A_52 = arith.constant 0 : i32
    %dma_start3A_53 = tpu.memref_slice %arg3[%add3A, %dma_start3A_51, %dma_start3A_52] : memref<32x92x112xi32, #tpu.memory_space<hbm>> -> memref<1x1x112xi32, #tpu.memory_space<hbm>>
    %dma_start3A_54 = tpu.memref_squeeze %dma_start3A_53 : memref<1x1x112xi32, #tpu.memory_space<hbm>> -> memref<1x112xi32, #tpu.memory_space<hbm>>
    tpu.enqueue_dma source(%dma_start3A_54 : memref<1x112xi32, #tpu.memory_space<hbm>>) target(%arg7 : memref<1x112xi32, #tpu.memory_space<vmem>>) target_semaphore(%arg14 : memref<!tpu.dma_semaphore, #tpu.memory_space<semaphore_mem>>)
    %dma_wait3A_55 = arith.constant 0 : i32
    %dma_wait3A_56 = arith.constant 0 : i32
    %dma_wait3A_57 = tpu.memref_slice %arg4[%add3A, %dma_wait3A_55, %dma_wait3A_56] : memref<32x92x112xi32, #tpu.memory_space<hbm>> -> memref<1x1x112xi32, #tpu.memory_space<hbm>>
    %dma_wait3A_58 = tpu.memref_squeeze %dma_wait3A_57 : memref<1x1x112xi32, #tpu.memory_space<hbm>> -> memref<1x112xi32, #tpu.memory_space<hbm>>
    %dma_wait3A_59 = arith.constant 0 : i32
    %dma_wait3A_60 = arith.constant 0 : i32
    %dma_wait3A_61 = tpu.memref_slice %arg4[%add3A, %dma_wait3A_59, %dma_wait3A_60] : memref<32x92x112xi32, #tpu.memory_space<hbm>> -> memref<1x1x112xi32, #tpu.memory_space<hbm>>
    %dma_wait3A_62 = tpu.memref_squeeze %dma_wait3A_61 : memref<1x1x112xi32, #tpu.memory_space<hbm>> -> memref<1x112xi32, #tpu.memory_space<hbm>>
    tpu.wait_dma2 semaphore(%arg16 : memref<!tpu.dma_semaphore, #tpu.memory_space<semaphore_mem>>) src(%dma_wait3A_62 : memref<1x112xi32, #tpu.memory_space<hbm>>) dst(%arg9 : memref<1x112xi32, #tpu.memory_space<vmem>>)
    %dma_start3A_63 = arith.constant 0 : i32
    %dma_start3A_64 = arith.constant 0 : i32
    %dma_start3A_65 = tpu.memref_slice %arg9[%dma_start3A_63, %dma_start3A_64] : memref<1x112xi32, #tpu.memory_space<vmem>> -> memref<1x112xi32, #tpu.memory_space<vmem>>
    %dma_start3A_66 = tpu.memref_squeeze %dma_start3A_65 : memref<1x112xi32, #tpu.memory_space<vmem>> -> memref<112xi32, #tpu.memory_space<vmem>>
    %dma_start3A_67 = arith.constant 0 : i32
    %dma_start3A_68 = arith.constant 0 : i32
    %dma_start3A_69 = tpu.memref_slice %arg13[%dma_start3A_67, %dma_start3A_68] : memref<10112x128xf32, #tpu.memory_space<vmem_shared>> -> memref<10112x128xf32, #tpu.memory_space<vmem_shared>>
    tpu.enqueue_indirect_dma source(%arg11 : memref<112x128xf32, #tpu.memory_space<vmem>>) target(%dma_start3A_69 : memref<10112x128xf32, #tpu.memory_space<vmem_shared>>) offsets(%dma_start3A_66 : memref<112xi32, #tpu.memory_space<vmem>>) semaphore(%arg20 : memref<!tpu.dma_semaphore, #tpu.memory_space<semaphore_mem>>) {add = true}
    %dma_start3A_70 = arith.constant 1 : i32
    %dma_start3A_71 = arith.constant 0 : i32
    %dma_start3A_72 = tpu.memref_slice %arg4[%add3A, %dma_start3A_70, %dma_start3A_71] : memref<32x92x112xi32, #tpu.memory_space<hbm>> -> memref<1x1x112xi32, #tpu.memory_space<hbm>>
    %dma_start3A_73 = tpu.memref_squeeze %dma_start3A_72 : memref<1x1x112xi32, #tpu.memory_space<hbm>> -> memref<1x112xi32, #tpu.memory_space<hbm>>
    %dma_start3A_74 = arith.constant 1 : i32
    %dma_start3A_75 = arith.constant 0 : i32
    %dma_start3A_76 = tpu.memref_slice %arg4[%add3A, %dma_start3A_74, %dma_start3A_75] : memref<32x92x112xi32, #tpu.memory_space<hbm>> -> memref<1x1x112xi32, #tpu.memory_space<hbm>>
    %dma_start3A_77 = tpu.memref_squeeze %dma_start3A_76 : memref<1x1x112xi32, #tpu.memory_space<hbm>> -> memref<1x112xi32, #tpu.memory_space<hbm>>
    tpu.enqueue_dma source(%dma_start3A_77 : memref<1x112xi32, #tpu.memory_space<hbm>>) target(%arg10 : memref<1x112xi32, #tpu.memory_space<vmem>>) target_semaphore(%arg17 : memref<!tpu.dma_semaphore, #tpu.memory_space<semaphore_mem>>)
    %dma_wait3A_78 = arith.constant 1 : i32
    %dma_wait3A_79 = arith.constant 0 : i32
    %dma_wait3A_80 = tpu.memref_slice %arg3[%add3A, %dma_wait3A_78, %dma_wait3A_79] : memref<32x92x112xi32, #tpu.memory_space<hbm>> -> memref<1x1x112xi32, #tpu.memory_space<hbm>>
    %dma_wait3A_81 = tpu.memref_squeeze %dma_wait3A_80 : memref<1x1x112xi32, #tpu.memory_space<hbm>> -> memref<1x112xi32, #tpu.memory_space<hbm>>
    %dma_wait3A_82 = arith.constant 1 : i32
    %dma_wait3A_83 = arith.constant 0 : i32
    %dma_wait3A_84 = tpu.memref_slice %arg3[%add3A, %dma_wait3A_82, %dma_wait3A_83] : memref<32x92x112xi32, #tpu.memory_space<hbm>> -> memref<1x1x112xi32, #tpu.memory_space<hbm>>
    %dma_wait3A_85 = tpu.memref_squeeze %dma_wait3A_84 : memref<1x1x112xi32, #tpu.memory_space<hbm>> -> memref<1x112xi32, #tpu.memory_space<hbm>>
    tpu.wait_dma2 semaphore(%arg15 : memref<!tpu.dma_semaphore, #tpu.memory_space<semaphore_mem>>) src(%dma_wait3A_85 : memref<1x112xi32, #tpu.memory_space<hbm>>) dst(%arg8 : memref<1x112xi32, #tpu.memory_space<vmem>>)
    %dma_start3A_86 = arith.constant 0 : i32
    %dma_start3A_87 = arith.constant 0 : i32
    %dma_start3A_88 = tpu.memref_slice %arg8[%dma_start3A_86, %dma_start3A_87] : memref<1x112xi32, #tpu.memory_space<vmem>> -> memref<1x112xi32, #tpu.memory_space<vmem>>
    %dma_start3A_89 = tpu.memref_squeeze %dma_start3A_88 : memref<1x112xi32, #tpu.memory_space<vmem>> -> memref<112xi32, #tpu.memory_space<vmem>>
    %dma_start3A_90 = arith.constant 0 : i32
    %dma_start3A_91 = arith.constant 0 : i32
    %dma_start3A_92 = tpu.memref_slice %arg2[%dma_start3A_90, %dma_start3A_91] : memref<10000x128xf32, #tpu.memory_space<hbm>> -> memref<10000x128xf32, #tpu.memory_space<hbm>>
    tpu.enqueue_indirect_dma source(%dma_start3A_92 : memref<10000x128xf32, #tpu.memory_space<hbm>>) target(%arg12 : memref<112x128xf32, #tpu.memory_space<vmem>>) offsets(%dma_start3A_89 : memref<112xi32, #tpu.memory_space<vmem>>) semaphore(%arg19 : memref<!tpu.dma_semaphore, #tpu.memory_space<semaphore_mem>>)
    %dma_wait3A_93 = arith.constant 0 : i32
    %dma_wait3A_94 = arith.constant 0 : i32
    %dma_wait3A_95 = tpu.memref_slice %arg8[%dma_wait3A_93, %dma_wait3A_94] : memref<1x112xi32, #tpu.memory_space<vmem>> -> memref<1x112xi32, #tpu.memory_space<vmem>>
    %dma_wait3A_96 = tpu.memref_squeeze %dma_wait3A_95 : memref<1x112xi32, #tpu.memory_space<vmem>> -> memref<112xi32, #tpu.memory_space<vmem>>
    %dma_wait3A_97 = arith.constant 0 : i32
    %dma_wait3A_98 = arith.constant 0 : i32
    %dma_wait3A_99 = tpu.memref_slice %arg2[%dma_wait3A_97, %dma_wait3A_98] : memref<10000x128xf32, #tpu.memory_space<hbm>> -> memref<10000x128xf32, #tpu.memory_space<hbm>>
    tpu.wait_indirect_dma semaphore(%arg19 : memref<!tpu.dma_semaphore, #tpu.memory_space<semaphore_mem>>) src(%dma_wait3A_99 : memref<10000x128xf32, #tpu.memory_space<hbm>>) dst(%arg12 : memref<112x128xf32, #tpu.memory_space<vmem>>)
    %dma_start3A_100 = arith.constant 3 : i32
    %dma_start3A_101 = arith.constant 0 : i32
    %dma_start3A_102 = tpu.memref_slice %arg3[%add3A, %dma_start3A_100, %dma_start3A_101] : memref<32x92x112xi32, #tpu.memory_space<hbm>> -> memref<1x1x112xi32, #tpu.memory_space<hbm>>
    %dma_start3A_103 = tpu.memref_squeeze %dma_start3A_102 : memref<1x1x112xi32, #tpu.memory_space<hbm>> -> memref<1x112xi32, #tpu.memory_space<hbm>>
    %dma_start3A_104 = arith.constant 3 : i32
    %dma_start3A_105 = arith.constant 0 : i32
    %dma_start3A_106 = tpu.memref_slice %arg3[%add3A, %dma_start3A_104, %dma_start3A_105] : memref<32x92x112xi32, #tpu.memory_space<hbm>> -> memref<1x1x112xi32, #tpu.memory_space<hbm>>
    %dma_start3A_107 = tpu.memref_squeeze %dma_start3A_106 : memref<1x1x112xi32, #tpu.memory_space<hbm>> -> memref<1x112xi32, #tpu.memory_space<hbm>>
    tpu.enqueue_dma source(%dma_start3A_107 : memref<1x112xi32, #tpu.memory_space<hbm>>) target(%arg8 : memref<1x112xi32, #tpu.memory_space<vmem>>) target_semaphore(%arg15 : memref<!tpu.dma_semaphore, #tpu.memory_space<semaphore_mem>>)
    %dma_wait3A_108 = arith.constant 1 : i32
    %dma_wait3A_109 = arith.constant 0 : i32
    %dma_wait3A_110 = tpu.memref_slice %arg4[%add3A, %dma_wait3A_108, %dma_wait3A_109] : memref<32x92x112xi32, #tpu.memory_space<hbm>> -> memref<1x1x112xi32, #tpu.memory_space<hbm>>
    %dma_wait3A_111 = tpu.memref_squeeze %dma_wait3A_110 : memref<1x1x112xi32, #tpu.memory_space<hbm>> -> memref<1x112xi32, #tpu.memory_space<hbm>>
    %dma_wait3A_112 = arith.constant 1 : i32
    %dma_wait3A_113 = arith.constant 0 : i32
    %dma_wait3A_114 = tpu.memref_slice %arg4[%add3A, %dma_wait3A_112, %dma_wait3A_113] : memref<32x92x112xi32, #tpu.memory_space<hbm>> -> memref<1x1x112xi32, #tpu.memory_space<hbm>>
    %dma_wait3A_115 = tpu.memref_squeeze %dma_wait3A_114 : memref<1x1x112xi32, #tpu.memory_space<hbm>> -> memref<1x112xi32, #tpu.memory_space<hbm>>
    tpu.wait_dma2 semaphore(%arg17 : memref<!tpu.dma_semaphore, #tpu.memory_space<semaphore_mem>>) src(%dma_wait3A_115 : memref<1x112xi32, #tpu.memory_space<hbm>>) dst(%arg10 : memref<1x112xi32, #tpu.memory_space<vmem>>)
    %dma_start3A_116 = arith.constant 0 : i32
    %dma_start3A_117 = arith.constant 0 : i32
    %dma_start3A_118 = tpu.memref_slice %arg10[%dma_start3A_116, %dma_start3A_117] : memref<1x112xi32, #tpu.memory_space<vmem>> -> memref<1x112xi32, #tpu.memory_space<vmem>>
    %dma_start3A_119 = tpu.memref_squeeze %dma_start3A_118 : memref<1x112xi32, #tpu.memory_space<vmem>> -> memref<112xi32, #tpu.memory_space<vmem>>
    %dma_start3A_120 = arith.constant 0 : i32
    %dma_start3A_121 = arith.constant 0 : i32
    %dma_start3A_122 = tpu.memref_slice %arg13[%dma_start3A_120, %dma_start3A_121] : memref<10112x128xf32, #tpu.memory_space<vmem_shared>> -> memref<10112x128xf32, #tpu.memory_space<vmem_shared>>
    tpu.enqueue_indirect_dma source(%arg12 : memref<112x128xf32, #tpu.memory_space<vmem>>) target(%dma_start3A_122 : memref<10112x128xf32, #tpu.memory_space<vmem_shared>>) offsets(%dma_start3A_119 : memref<112xi32, #tpu.memory_space<vmem>>) semaphore(%arg21 : memref<!tpu.dma_semaphore, #tpu.memory_space<semaphore_mem>>) {add = true}
    %dma_wait3A_123 = arith.constant 0 : i32
    %dma_wait3A_124 = arith.constant 0 : i32
    %dma_wait3A_125 = tpu.memref_slice %arg9[%dma_wait3A_123, %dma_wait3A_124] : memref<1x112xi32, #tpu.memory_space<vmem>> -> memref<1x112xi32, #tpu.memory_space<vmem>>
    %dma_wait3A_126 = tpu.memref_squeeze %dma_wait3A_125 : memref<1x112xi32, #tpu.memory_space<vmem>> -> memref<112xi32, #tpu.memory_space<vmem>>
    %dma_wait3A_127 = arith.constant 0 : i32
    %dma_wait3A_128 = arith.constant 0 : i32
    %dma_wait3A_129 = tpu.memref_slice %arg13[%dma_wait3A_127, %dma_wait3A_128] : memref<10112x128xf32, #tpu.memory_space<vmem_shared>> -> memref<10112x128xf32, #tpu.memory_space<vmem_shared>>
    tpu.wait_indirect_dma semaphore(%arg20 : memref<!tpu.dma_semaphore, #tpu.memory_space<semaphore_mem>>) src(%arg11 : memref<112x128xf32, #tpu.memory_space<vmem>>) dst(%dma_wait3A_129 : memref<10112x128xf32, #tpu.memory_space<vmem_shared>>)
    %dma_start3A_130 = arith.constant 2 : i32
    %dma_start3A_131 = arith.constant 0 : i32
    %dma_start3A_132 = tpu.memref_slice %arg4[%add3A, %dma_start3A_130, %dma_start3A_131] : memref<32x92x112xi32, #tpu.memory_space<hbm>> -> memref<1x1x112xi32, #tpu.memory_space<hbm>>
    %dma_start3A_133 = tpu.memref_squeeze %dma_start3A_132 : memref<1x1x112xi32, #tpu.memory_space<hbm>> -> memref<1x112xi32, #tpu.memory_space<hbm>>
    %dma_start3A_134 = arith.constant 2 : i32
    %dma_start3A_135 = arith.constant 0 : i32
    %dma_start3A_136 = tpu.memref_slice %arg4[%add3A, %dma_start3A_134, %dma_start3A_135] : memref<32x92x112xi32, #tpu.memory_space<hbm>> -> memref<1x1x112xi32, #tpu.memory_space<hbm>>
    %dma_start3A_137 = tpu.memref_squeeze %dma_start3A_136 : memref<1x1x112xi32, #tpu.memory_space<hbm>> -> memref<1x112xi32, #tpu.memory_space<hbm>>
    tpu.enqueue_dma source(%dma_start3A_137 : memref<1x112xi32, #tpu.memory_space<hbm>>) target(%arg9 : memref<1x112xi32, #tpu.memory_space<vmem>>) target_semaphore(%arg16 : memref<!tpu.dma_semaphore, #tpu.memory_space<semaphore_mem>>)
    %dma_wait3A_138 = arith.constant 2 : i32
    %dma_wait3A_139 = arith.constant 0 : i32
    %dma_wait3A_140 = tpu.memref_slice %arg3[%add3A, %dma_wait3A_138, %dma_wait3A_139] : memref<32x92x112xi32, #tpu.memory_space<hbm>> -> memref<1x1x112xi32, #tpu.memory_space<hbm>>
    %dma_wait3A_141 = tpu.memref_squeeze %dma_wait3A_140 : memref<1x1x112xi32, #tpu.memory_space<hbm>> -> memref<1x112xi32, #tpu.memory_space<hbm>>
    %dma_wait3A_142 = arith.constant 2 : i32
    %dma_wait3A_143 = arith.constant 0 : i32
    %dma_wait3A_144 = tpu.memref_slice %arg3[%add3A, %dma_wait3A_142, %dma_wait3A_143] : memref<32x92x112xi32, #tpu.memory_space<hbm>> -> memref<1x1x112xi32, #tpu.memory_space<hbm>>
    %dma_wait3A_145 = tpu.memref_squeeze %dma_wait3A_144 : memref<1x1x112xi32, #tpu.memory_space<hbm>> -> memref<1x112xi32, #tpu.memory_space<hbm>>
    tpu.wait_dma2 semaphore(%arg14 : memref<!tpu.dma_semaphore, #tpu.memory_space<semaphore_mem>>) src(%dma_wait3A_145 : memref<1x112xi32, #tpu.memory_space<hbm>>) dst(%arg7 : memref<1x112xi32, #tpu.memory_space<vmem>>)
    %dma_start3A_146 = arith.constant 0 : i32
    %dma_start3A_147 = arith.constant 0 : i32
    %dma_start3A_148 = tpu.memref_slice %arg7[%dma_start3A_146, %dma_start3A_147] : memref<1x112xi32, #tpu.memory_space<vmem>> -> memref<1x112xi32, #tpu.memory_space<vmem>>
    %dma_start3A_149 = tpu.memref_squeeze %dma_start3A_148 : memref<1x112xi32, #tpu.memory_space<vmem>> -> memref<112xi32, #tpu.memory_space<vmem>>
    %dma_start3A_150 = arith.constant 0 : i32
    %dma_start3A_151 = arith.constant 0 : i32
    %dma_start3A_152 = tpu.memref_slice %arg2[%dma_start3A_150, %dma_start3A_151] : memref<10000x128xf32, #tpu.memory_space<hbm>> -> memref<10000x128xf32, #tpu.memory_space<hbm>>
    tpu.enqueue_indirect_dma source(%dma_start3A_152 : memref<10000x128xf32, #tpu.memory_space<hbm>>) target(%arg11 : memref<112x128xf32, #tpu.memory_space<vmem>>) offsets(%dma_start3A_149 : memref<112xi32, #tpu.memory_space<vmem>>) semaphore(%arg18 : memref<!tpu.dma_semaphore, #tpu.memory_space<semaphore_mem>>)
    %scan3A = arith.constant 0 : i32
    %scan3A_153 = arith.constant 1 : i32
    %scan3A_154 = arith.constant 44 : i32
    %scan3A_155 = arith.addi %scan3A_153, %scan3A_154 : i32
    %scan3A_156 = arith.constant 1 : i32
    scf.for %scan3A_192 = %scan3A_153 to %scan3A_155 step %scan3A_156  : i32 {
      %mul3A_193 = arith.constant 2 : i32
      %mul3A_194 = arith.muli %mul3A_193, %scan3A_192 : i32
      %add3A_195 = arith.constant 0 : i32
      %add3A_196 = arith.addi %mul3A_194, %add3A_195 : i32
      %dma_wait3A_197 = arith.constant 0 : i32
      %dma_wait3A_198 = arith.constant 0 : i32
      %dma_wait3A_199 = tpu.memref_slice %arg7[%dma_wait3A_197, %dma_wait3A_198] : memref<1x112xi32, #tpu.memory_space<vmem>> -> memref<1x112xi32, #tpu.memory_space<vmem>>
      %dma_wait3A_200 = tpu.memref_squeeze %dma_wait3A_199 : memref<1x112xi32, #tpu.memory_space<vmem>> -> memref<112xi32, #tpu.memory_space<vmem>>
      %dma_wait3A_201 = arith.constant 0 : i32
      %dma_wait3A_202 = arith.constant 0 : i32
      %dma_wait3A_203 = tpu.memref_slice %arg2[%dma_wait3A_201, %dma_wait3A_202] : memref<10000x128xf32, #tpu.memory_space<hbm>> -> memref<10000x128xf32, #tpu.memory_space<hbm>>
      tpu.wait_indirect_dma semaphore(%arg18 : memref<!tpu.dma_semaphore, #tpu.memory_space<semaphore_mem>>) src(%dma_wait3A_203 : memref<10000x128xf32, #tpu.memory_space<hbm>>) dst(%arg11 : memref<112x128xf32, #tpu.memory_space<vmem>>)
      %add3A_204 = arith.constant 2 : i32
      %add3A_205 = arith.addi %add3A_196, %add3A_204 : i32
      %dma_start3A_206 = arith.constant 0 : i32
      %dma_start3A_207 = tpu.memref_slice %arg3[%add3A, %add3A_205, %dma_start3A_206] : memref<32x92x112xi32, #tpu.memory_space<hbm>> -> memref<1x1x112xi32, #tpu.memory_space<hbm>>
      %dma_start3A_208 = tpu.memref_squeeze %dma_start3A_207 : memref<1x1x112xi32, #tpu.memory_space<hbm>> -> memref<1x112xi32, #tpu.memory_space<hbm>>
      %dma_start3A_209 = arith.constant 0 : i32
      %dma_start3A_210 = tpu.memref_slice %arg3[%add3A, %add3A_205, %dma_start3A_209] : memref<32x92x112xi32, #tpu.memory_space<hbm>> -> memref<1x1x112xi32, #tpu.memory_space<hbm>>
      %dma_start3A_211 = tpu.memref_squeeze %dma_start3A_210 : memref<1x1x112xi32, #tpu.memory_space<hbm>> -> memref<1x112xi32, #tpu.memory_space<hbm>>
      tpu.enqueue_dma source(%dma_start3A_211 : memref<1x112xi32, #tpu.memory_space<hbm>>) target(%arg7 : memref<1x112xi32, #tpu.memory_space<vmem>>) target_semaphore(%arg14 : memref<!tpu.dma_semaphore, #tpu.memory_space<semaphore_mem>>)
      %dma_wait3A_212 = arith.constant 0 : i32
      %dma_wait3A_213 = tpu.memref_slice %arg4[%add3A, %add3A_196, %dma_wait3A_212] : memref<32x92x112xi32, #tpu.memory_space<hbm>> -> memref<1x1x112xi32, #tpu.memory_space<hbm>>
      %dma_wait3A_214 = tpu.memref_squeeze %dma_wait3A_213 : memref<1x1x112xi32, #tpu.memory_space<hbm>> -> memref<1x112xi32, #tpu.memory_space<hbm>>
      %dma_wait3A_215 = arith.constant 0 : i32
      %dma_wait3A_216 = tpu.memref_slice %arg4[%add3A, %add3A_196, %dma_wait3A_215] : memref<32x92x112xi32, #tpu.memory_space<hbm>> -> memref<1x1x112xi32, #tpu.memory_space<hbm>>
      %dma_wait3A_217 = tpu.memref_squeeze %dma_wait3A_216 : memref<1x1x112xi32, #tpu.memory_space<hbm>> -> memref<1x112xi32, #tpu.memory_space<hbm>>
      tpu.wait_dma2 semaphore(%arg16 : memref<!tpu.dma_semaphore, #tpu.memory_space<semaphore_mem>>) src(%dma_wait3A_217 : memref<1x112xi32, #tpu.memory_space<hbm>>) dst(%arg9 : memref<1x112xi32, #tpu.memory_space<vmem>>)
      %dma_start3A_218 = arith.constant 0 : i32
      %dma_start3A_219 = arith.constant 0 : i32
      %dma_start3A_220 = tpu.memref_slice %arg9[%dma_start3A_218, %dma_start3A_219] : memref<1x112xi32, #tpu.memory_space<vmem>> -> memref<1x112xi32, #tpu.memory_space<vmem>>
      %dma_start3A_221 = tpu.memref_squeeze %dma_start3A_220 : memref<1x112xi32, #tpu.memory_space<vmem>> -> memref<112xi32, #tpu.memory_space<vmem>>
      %dma_start3A_222 = arith.constant 0 : i32
      %dma_start3A_223 = arith.constant 0 : i32
      %dma_start3A_224 = tpu.memref_slice %arg13[%dma_start3A_222, %dma_start3A_223] : memref<10112x128xf32, #tpu.memory_space<vmem_shared>> -> memref<10112x128xf32, #tpu.memory_space<vmem_shared>>
      tpu.enqueue_indirect_dma source(%arg11 : memref<112x128xf32, #tpu.memory_space<vmem>>) target(%dma_start3A_224 : memref<10112x128xf32, #tpu.memory_space<vmem_shared>>) offsets(%dma_start3A_221 : memref<112xi32, #tpu.memory_space<vmem>>) semaphore(%arg20 : memref<!tpu.dma_semaphore, #tpu.memory_space<semaphore_mem>>) {add = true}
      %dma_wait3A_225 = arith.constant 0 : i32
      %dma_wait3A_226 = arith.constant 0 : i32
      %dma_wait3A_227 = tpu.memref_slice %arg10[%dma_wait3A_225, %dma_wait3A_226] : memref<1x112xi32, #tpu.memory_space<vmem>> -> memref<1x112xi32, #tpu.memory_space<vmem>>
      %dma_wait3A_228 = tpu.memref_squeeze %dma_wait3A_227 : memref<1x112xi32, #tpu.memory_space<vmem>> -> memref<112xi32, #tpu.memory_space<vmem>>
      %dma_wait3A_229 = arith.constant 0 : i32
      %dma_wait3A_230 = arith.constant 0 : i32
      %dma_wait3A_231 = tpu.memref_slice %arg13[%dma_wait3A_229, %dma_wait3A_230] : memref<10112x128xf32, #tpu.memory_space<vmem_shared>> -> memref<10112x128xf32, #tpu.memory_space<vmem_shared>>
      tpu.wait_indirect_dma semaphore(%arg21 : memref<!tpu.dma_semaphore, #tpu.memory_space<semaphore_mem>>) src(%arg12 : memref<112x128xf32, #tpu.memory_space<vmem>>) dst(%dma_wait3A_231 : memref<10112x128xf32, #tpu.memory_space<vmem_shared>>)
      %add3A_232 = arith.constant 1 : i32
      %add3A_233 = arith.addi %add3A_196, %add3A_232 : i32
      %dma_start3A_234 = arith.constant 0 : i32
      %dma_start3A_235 = tpu.memref_slice %arg4[%add3A, %add3A_233, %dma_start3A_234] : memref<32x92x112xi32, #tpu.memory_space<hbm>> -> memref<1x1x112xi32, #tpu.memory_space<hbm>>
      %dma_start3A_236 = tpu.memref_squeeze %dma_start3A_235 : memref<1x1x112xi32, #tpu.memory_space<hbm>> -> memref<1x112xi32, #tpu.memory_space<hbm>>
      %dma_start3A_237 = arith.constant 0 : i32
      %dma_start3A_238 = tpu.memref_slice %arg4[%add3A, %add3A_233, %dma_start3A_237] : memref<32x92x112xi32, #tpu.memory_space<hbm>> -> memref<1x1x112xi32, #tpu.memory_space<hbm>>
      %dma_start3A_239 = tpu.memref_squeeze %dma_start3A_238 : memref<1x1x112xi32, #tpu.memory_space<hbm>> -> memref<1x112xi32, #tpu.memory_space<hbm>>
      tpu.enqueue_dma source(%dma_start3A_239 : memref<1x112xi32, #tpu.memory_space<hbm>>) target(%arg10 : memref<1x112xi32, #tpu.memory_space<vmem>>) target_semaphore(%arg17 : memref<!tpu.dma_semaphore, #tpu.memory_space<semaphore_mem>>)
      %add3A_240 = arith.constant 1 : i32
      %add3A_241 = arith.addi %add3A_196, %add3A_240 : i32
      %dma_wait3A_242 = arith.constant 0 : i32
      %dma_wait3A_243 = tpu.memref_slice %arg3[%add3A, %add3A_241, %dma_wait3A_242] : memref<32x92x112xi32, #tpu.memory_space<hbm>> -> memref<1x1x112xi32, #tpu.memory_space<hbm>>
      %dma_wait3A_244 = tpu.memref_squeeze %dma_wait3A_243 : memref<1x1x112xi32, #tpu.memory_space<hbm>> -> memref<1x112xi32, #tpu.memory_space<hbm>>
      %dma_wait3A_245 = arith.constant 0 : i32
      %dma_wait3A_246 = tpu.memref_slice %arg3[%add3A, %add3A_241, %dma_wait3A_245] : memref<32x92x112xi32, #tpu.memory_space<hbm>> -> memref<1x1x112xi32, #tpu.memory_space<hbm>>
      %dma_wait3A_247 = tpu.memref_squeeze %dma_wait3A_246 : memref<1x1x112xi32, #tpu.memory_space<hbm>> -> memref<1x112xi32, #tpu.memory_space<hbm>>
      tpu.wait_dma2 semaphore(%arg15 : memref<!tpu.dma_semaphore, #tpu.memory_space<semaphore_mem>>) src(%dma_wait3A_247 : memref<1x112xi32, #tpu.memory_space<hbm>>) dst(%arg8 : memref<1x112xi32, #tpu.memory_space<vmem>>)
      %dma_start3A_248 = arith.constant 0 : i32
      %dma_start3A_249 = arith.constant 0 : i32
      %dma_start3A_250 = tpu.memref_slice %arg8[%dma_start3A_248, %dma_start3A_249] : memref<1x112xi32, #tpu.memory_space<vmem>> -> memref<1x112xi32, #tpu.memory_space<vmem>>
      %dma_start3A_251 = tpu.memref_squeeze %dma_start3A_250 : memref<1x112xi32, #tpu.memory_space<vmem>> -> memref<112xi32, #tpu.memory_space<vmem>>
      %dma_start3A_252 = arith.constant 0 : i32
      %dma_start3A_253 = arith.constant 0 : i32
      %dma_start3A_254 = tpu.memref_slice %arg2[%dma_start3A_252, %dma_start3A_253] : memref<10000x128xf32, #tpu.memory_space<hbm>> -> memref<10000x128xf32, #tpu.memory_space<hbm>>
      tpu.enqueue_indirect_dma source(%dma_start3A_254 : memref<10000x128xf32, #tpu.memory_space<hbm>>) target(%arg12 : memref<112x128xf32, #tpu.memory_space<vmem>>) offsets(%dma_start3A_251 : memref<112xi32, #tpu.memory_space<vmem>>) semaphore(%arg19 : memref<!tpu.dma_semaphore, #tpu.memory_space<semaphore_mem>>)
      %mul3A_255 = arith.constant 2 : i32
      %mul3A_256 = arith.muli %mul3A_255, %scan3A_192 : i32
      %add3A_257 = arith.constant 1 : i32
      %add3A_258 = arith.addi %mul3A_256, %add3A_257 : i32
      %dma_wait3A_259 = arith.constant 0 : i32
      %dma_wait3A_260 = arith.constant 0 : i32
      %dma_wait3A_261 = tpu.memref_slice %arg8[%dma_wait3A_259, %dma_wait3A_260] : memref<1x112xi32, #tpu.memory_space<vmem>> -> memref<1x112xi32, #tpu.memory_space<vmem>>
      %dma_wait3A_262 = tpu.memref_squeeze %dma_wait3A_261 : memref<1x112xi32, #tpu.memory_space<vmem>> -> memref<112xi32, #tpu.memory_space<vmem>>
      %dma_wait3A_263 = arith.constant 0 : i32
      %dma_wait3A_264 = arith.constant 0 : i32
      %dma_wait3A_265 = tpu.memref_slice %arg2[%dma_wait3A_263, %dma_wait3A_264] : memref<10000x128xf32, #tpu.memory_space<hbm>> -> memref<10000x128xf32, #tpu.memory_space<hbm>>
      tpu.wait_indirect_dma semaphore(%arg19 : memref<!tpu.dma_semaphore, #tpu.memory_space<semaphore_mem>>) src(%dma_wait3A_265 : memref<10000x128xf32, #tpu.memory_space<hbm>>) dst(%arg12 : memref<112x128xf32, #tpu.memory_space<vmem>>)
      %add3A_266 = arith.constant 2 : i32
      %add3A_267 = arith.addi %add3A_258, %add3A_266 : i32
      %dma_start3A_268 = arith.constant 0 : i32
      %dma_start3A_269 = tpu.memref_slice %arg3[%add3A, %add3A_267, %dma_start3A_268] : memref<32x92x112xi32, #tpu.memory_space<hbm>> -> memref<1x1x112xi32, #tpu.memory_space<hbm>>
      %dma_start3A_270 = tpu.memref_squeeze %dma_start3A_269 : memref<1x1x112xi32, #tpu.memory_space<hbm>> -> memref<1x112xi32, #tpu.memory_space<hbm>>
      %dma_start3A_271 = arith.constant 0 : i32
      %dma_start3A_272 = tpu.memref_slice %arg3[%add3A, %add3A_267, %dma_start3A_271] : memref<32x92x112xi32, #tpu.memory_space<hbm>> -> memref<1x1x112xi32, #tpu.memory_space<hbm>>
      %dma_start3A_273 = tpu.memref_squeeze %dma_start3A_272 : memref<1x1x112xi32, #tpu.memory_space<hbm>> -> memref<1x112xi32, #tpu.memory_space<hbm>>
      tpu.enqueue_dma source(%dma_start3A_273 : memref<1x112xi32, #tpu.memory_space<hbm>>) target(%arg8 : memref<1x112xi32, #tpu.memory_space<vmem>>) target_semaphore(%arg15 : memref<!tpu.dma_semaphore, #tpu.memory_space<semaphore_mem>>)
      %dma_wait3A_274 = arith.constant 0 : i32
      %dma_wait3A_275 = tpu.memref_slice %arg4[%add3A, %add3A_258, %dma_wait3A_274] : memref<32x92x112xi32, #tpu.memory_space<hbm>> -> memref<1x1x112xi32, #tpu.memory_space<hbm>>
      %dma_wait3A_276 = tpu.memref_squeeze %dma_wait3A_275 : memref<1x1x112xi32, #tpu.memory_space<hbm>> -> memref<1x112xi32, #tpu.memory_space<hbm>>
      %dma_wait3A_277 = arith.constant 0 : i32
      %dma_wait3A_278 = tpu.memref_slice %arg4[%add3A, %add3A_258, %dma_wait3A_277] : memref<32x92x112xi32, #tpu.memory_space<hbm>> -> memref<1x1x112xi32, #tpu.memory_space<hbm>>
      %dma_wait3A_279 = tpu.memref_squeeze %dma_wait3A_278 : memref<1x1x112xi32, #tpu.memory_space<hbm>> -> memref<1x112xi32, #tpu.memory_space<hbm>>
      tpu.wait_dma2 semaphore(%arg17 : memref<!tpu.dma_semaphore, #tpu.memory_space<semaphore_mem>>) src(%dma_wait3A_279 : memref<1x112xi32, #tpu.memory_space<hbm>>) dst(%arg10 : memref<1x112xi32, #tpu.memory_space<vmem>>)
      %dma_start3A_280 = arith.constant 0 : i32
      %dma_start3A_281 = arith.constant 0 : i32
      %dma_start3A_282 = tpu.memref_slice %arg10[%dma_start3A_280, %dma_start3A_281] : memref<1x112xi32, #tpu.memory_space<vmem>> -> memref<1x112xi32, #tpu.memory_space<vmem>>
      %dma_start3A_283 = tpu.memref_squeeze %dma_start3A_282 : memref<1x112xi32, #tpu.memory_space<vmem>> -> memref<112xi32, #tpu.memory_space<vmem>>
      %dma_start3A_284 = arith.constant 0 : i32
      %dma_start3A_285 = arith.constant 0 : i32
      %dma_start3A_286 = tpu.memref_slice %arg13[%dma_start3A_284, %dma_start3A_285] : memref<10112x128xf32, #tpu.memory_space<vmem_shared>> -> memref<10112x128xf32, #tpu.memory_space<vmem_shared>>
      tpu.enqueue_indirect_dma source(%arg12 : memref<112x128xf32, #tpu.memory_space<vmem>>) target(%dma_start3A_286 : memref<10112x128xf32, #tpu.memory_space<vmem_shared>>) offsets(%dma_start3A_283 : memref<112xi32, #tpu.memory_space<vmem>>) semaphore(%arg21 : memref<!tpu.dma_semaphore, #tpu.memory_space<semaphore_mem>>) {add = true}
      %dma_wait3A_287 = arith.constant 0 : i32
      %dma_wait3A_288 = arith.constant 0 : i32
      %dma_wait3A_289 = tpu.memref_slice %arg9[%dma_wait3A_287, %dma_wait3A_288] : memref<1x112xi32, #tpu.memory_space<vmem>> -> memref<1x112xi32, #tpu.memory_space<vmem>>
      %dma_wait3A_290 = tpu.memref_squeeze %dma_wait3A_289 : memref<1x112xi32, #tpu.memory_space<vmem>> -> memref<112xi32, #tpu.memory_space<vmem>>
      %dma_wait3A_291 = arith.constant 0 : i32
      %dma_wait3A_292 = arith.constant 0 : i32
      %dma_wait3A_293 = tpu.memref_slice %arg13[%dma_wait3A_291, %dma_wait3A_292] : memref<10112x128xf32, #tpu.memory_space<vmem_shared>> -> memref<10112x128xf32, #tpu.memory_space<vmem_shared>>
      tpu.wait_indirect_dma semaphore(%arg20 : memref<!tpu.dma_semaphore, #tpu.memory_space<semaphore_mem>>) src(%arg11 : memref<112x128xf32, #tpu.memory_space<vmem>>) dst(%dma_wait3A_293 : memref<10112x128xf32, #tpu.memory_space<vmem_shared>>)
      %add3A_294 = arith.constant 1 : i32
      %add3A_295 = arith.addi %add3A_258, %add3A_294 : i32
      %dma_start3A_296 = arith.constant 0 : i32
      %dma_start3A_297 = tpu.memref_slice %arg4[%add3A, %add3A_295, %dma_start3A_296] : memref<32x92x112xi32, #tpu.memory_space<hbm>> -> memref<1x1x112xi32, #tpu.memory_space<hbm>>
      %dma_start3A_298 = tpu.memref_squeeze %dma_start3A_297 : memref<1x1x112xi32, #tpu.memory_space<hbm>> -> memref<1x112xi32, #tpu.memory_space<hbm>>
      %dma_start3A_299 = arith.constant 0 : i32
      %dma_start3A_300 = tpu.memref_slice %arg4[%add3A, %add3A_295, %dma_start3A_299] : memref<32x92x112xi32, #tpu.memory_space<hbm>> -> memref<1x1x112xi32, #tpu.memory_space<hbm>>
      %dma_start3A_301 = tpu.memref_squeeze %dma_start3A_300 : memref<1x1x112xi32, #tpu.memory_space<hbm>> -> memref<1x112xi32, #tpu.memory_space<hbm>>
      tpu.enqueue_dma source(%dma_start3A_301 : memref<1x112xi32, #tpu.memory_space<hbm>>) target(%arg9 : memref<1x112xi32, #tpu.memory_space<vmem>>) target_semaphore(%arg16 : memref<!tpu.dma_semaphore, #tpu.memory_space<semaphore_mem>>)
      %add3A_302 = arith.constant 1 : i32
      %add3A_303 = arith.addi %add3A_258, %add3A_302 : i32
      %dma_wait3A_304 = arith.constant 0 : i32
      %dma_wait3A_305 = tpu.memref_slice %arg3[%add3A, %add3A_303, %dma_wait3A_304] : memref<32x92x112xi32, #tpu.memory_space<hbm>> -> memref<1x1x112xi32, #tpu.memory_space<hbm>>
      %dma_wait3A_306 = tpu.memref_squeeze %dma_wait3A_305 : memref<1x1x112xi32, #tpu.memory_space<hbm>> -> memref<1x112xi32, #tpu.memory_space<hbm>>
      %dma_wait3A_307 = arith.constant 0 : i32
      %dma_wait3A_308 = tpu.memref_slice %arg3[%add3A, %add3A_303, %dma_wait3A_307] : memref<32x92x112xi32, #tpu.memory_space<hbm>> -> memref<1x1x112xi32, #tpu.memory_space<hbm>>
      %dma_wait3A_309 = tpu.memref_squeeze %dma_wait3A_308 : memref<1x1x112xi32, #tpu.memory_space<hbm>> -> memref<1x112xi32, #tpu.memory_space<hbm>>
      tpu.wait_dma2 semaphore(%arg14 : memref<!tpu.dma_semaphore, #tpu.memory_space<semaphore_mem>>) src(%dma_wait3A_309 : memref<1x112xi32, #tpu.memory_space<hbm>>) dst(%arg7 : memref<1x112xi32, #tpu.memory_space<vmem>>)
      %dma_start3A_310 = arith.constant 0 : i32
      %dma_start3A_311 = arith.constant 0 : i32
      %dma_start3A_312 = tpu.memref_slice %arg7[%dma_start3A_310, %dma_start3A_311] : memref<1x112xi32, #tpu.memory_space<vmem>> -> memref<1x112xi32, #tpu.memory_space<vmem>>
      %dma_start3A_313 = tpu.memref_squeeze %dma_start3A_312 : memref<1x112xi32, #tpu.memory_space<vmem>> -> memref<112xi32, #tpu.memory_space<vmem>>
      %dma_start3A_314 = arith.constant 0 : i32
      %dma_start3A_315 = arith.constant 0 : i32
      %dma_start3A_316 = tpu.memref_slice %arg2[%dma_start3A_314, %dma_start3A_315] : memref<10000x128xf32, #tpu.memory_space<hbm>> -> memref<10000x128xf32, #tpu.memory_space<hbm>>
      tpu.enqueue_indirect_dma source(%dma_start3A_316 : memref<10000x128xf32, #tpu.memory_space<hbm>>) target(%arg11 : memref<112x128xf32, #tpu.memory_space<vmem>>) offsets(%dma_start3A_313 : memref<112xi32, #tpu.memory_space<vmem>>) semaphore(%arg18 : memref<!tpu.dma_semaphore, #tpu.memory_space<semaphore_mem>>)
    }
    %scan3A_157 = arith.constant 44 : i32
    %dma_wait3A_158 = arith.constant 0 : i32
    %dma_wait3A_159 = arith.constant 0 : i32
    %dma_wait3A_160 = tpu.memref_slice %arg7[%dma_wait3A_158, %dma_wait3A_159] : memref<1x112xi32, #tpu.memory_space<vmem>> -> memref<1x112xi32, #tpu.memory_space<vmem>>
    %dma_wait3A_161 = tpu.memref_squeeze %dma_wait3A_160 : memref<1x112xi32, #tpu.memory_space<vmem>> -> memref<112xi32, #tpu.memory_space<vmem>>
    %dma_wait3A_162 = arith.constant 0 : i32
    %dma_wait3A_163 = arith.constant 0 : i32
    %dma_wait3A_164 = tpu.memref_slice %arg2[%dma_wait3A_162, %dma_wait3A_163] : memref<10000x128xf32, #tpu.memory_space<hbm>> -> memref<10000x128xf32, #tpu.memory_space<hbm>>
    tpu.wait_indirect_dma semaphore(%arg18 : memref<!tpu.dma_semaphore, #tpu.memory_space<semaphore_mem>>) src(%dma_wait3A_164 : memref<10000x128xf32, #tpu.memory_space<hbm>>) dst(%arg11 : memref<112x128xf32, #tpu.memory_space<vmem>>)
    %dma_wait3A_165 = arith.constant 0 : i32
    %dma_wait3A_166 = arith.constant 0 : i32
    %dma_wait3A_167 = tpu.memref_slice %arg10[%dma_wait3A_165, %dma_wait3A_166] : memref<1x112xi32, #tpu.memory_space<vmem>> -> memref<1x112xi32, #tpu.memory_space<vmem>>
    %dma_wait3A_168 = tpu.memref_squeeze %dma_wait3A_167 : memref<1x112xi32, #tpu.memory_space<vmem>> -> memref<112xi32, #tpu.memory_space<vmem>>
    %dma_wait3A_169 = arith.constant 0 : i32
    %dma_wait3A_170 = arith.constant 0 : i32
    %dma_wait3A_171 = tpu.memref_slice %arg13[%dma_wait3A_169, %dma_wait3A_170] : memref<10112x128xf32, #tpu.memory_space<vmem_shared>> -> memref<10112x128xf32, #tpu.memory_space<vmem_shared>>
    tpu.wait_indirect_dma semaphore(%arg21 : memref<!tpu.dma_semaphore, #tpu.memory_space<semaphore_mem>>) src(%arg12 : memref<112x128xf32, #tpu.memory_space<vmem>>) dst(%dma_wait3A_171 : memref<10112x128xf32, #tpu.memory_space<vmem_shared>>)
    %dma_wait3A_172 = arith.constant 91 : i32
    %dma_wait3A_173 = arith.constant 0 : i32
    %dma_wait3A_174 = tpu.memref_slice %arg3[%add3A, %dma_wait3A_172, %dma_wait3A_173] : memref<32x92x112xi32, #tpu.memory_space<hbm>> -> memref<1x1x112xi32, #tpu.memory_space<hbm>>
    %dma_wait3A_175 = tpu.memref_squeeze %dma_wait3A_174 : memref<1x1x112xi32, #tpu.memory_space<hbm>> -> memref<1x112xi32, #tpu.memory_space<hbm>>
    %dma_wait3A_176 = arith.constant 91 : i32
    %dma_wait3A_177 = arith.constant 0 : i32
    %dma_wait3A_178 = tpu.memref_slice %arg3[%add3A, %dma_wait3A_176, %dma_wait3A_177] : memref<32x92x112xi32, #tpu.memory_space<hbm>> -> memref<1x1x112xi32, #tpu.memory_space<hbm>>
    %dma_wait3A_179 = tpu.memref_squeeze %dma_wait3A_178 : memref<1x1x112xi32, #tpu.memory_space<hbm>> -> memref<1x112xi32, #tpu.memory_space<hbm>>
    tpu.wait_dma2 semaphore(%arg15 : memref<!tpu.dma_semaphore, #tpu.memory_space<semaphore_mem>>) src(%dma_wait3A_179 : memref<1x112xi32, #tpu.memory_space<hbm>>) dst(%arg8 : memref<1x112xi32, #tpu.memory_space<vmem>>)
    %dma_wait3A_180 = arith.constant 90 : i32
    %dma_wait3A_181 = arith.constant 0 : i32
    %dma_wait3A_182 = tpu.memref_slice %arg4[%add3A, %dma_wait3A_180, %dma_wait3A_181] : memref<32x92x112xi32, #tpu.memory_space<hbm>> -> memref<1x1x112xi32, #tpu.memory_space<hbm>>
    %dma_wait3A_183 = tpu.memref_squeeze %dma_wait3A_182 : memref<1x1x112xi32, #tpu.memory_space<hbm>> -> memref<1x112xi32, #tpu.memory_space<hbm>>
    %dma_wait3A_184 = arith.constant 90 : i32
    %dma_wait3A_185 = arith.constant 0 : i32
    %dma_wait3A_186 = tpu.memref_slice %arg4[%add3A, %dma_wait3A_184, %dma_wait3A_185] : memref<32x92x112xi32, #tpu.memory_space<hbm>> -> memref<1x1x112xi32, #tpu.memory_space<hbm>>
    %dma_wait3A_187 = tpu.memref_squeeze %dma_wait3A_186 : memref<1x1x112xi32, #tpu.memory_space<hbm>> -> memref<1x112xi32, #tpu.memory_space<hbm>>
    tpu.wait_dma2 semaphore(%arg16 : memref<!tpu.dma_semaphore, #tpu.memory_space<semaphore_mem>>) src(%dma_wait3A_187 : memref<1x112xi32, #tpu.memory_space<hbm>>) dst(%arg9 : memref<1x112xi32, #tpu.memory_space<vmem>>)
    %barrier3A_188 = arith.constant 0 : index
    tpu.barrier barrier_id(%barrier3A_188)
    %mul3A_189 = arith.constant 10112 : i32
    %mul3A_190 = arith.muli %arg0, %mul3A_189 : i32
    %add3A_191 = arith.addi %mul3A_190, %mul3A_2 : i32
    "tpu.region"() ({
      %run_scoped3A = tpu.sem_alloc : memref<!tpu.dma_semaphore, #tpu.memory_space<semaphore_mem>>
      %dma_start3A_192 = arith.constant 0 : i32
      %dma_start3A_193 = tpu.memref_slice %arg6[%add3A_191, %dma_start3A_192] : memref<20224x128xf32, #tpu.memory_space<hbm>> -> memref<632x128xf32, #tpu.memory_space<hbm>>
      %dma_start3A_194 = arith.constant 0 : i32
      %dma_start3A_195 = tpu.memref_slice %arg13[%mul3A_2, %dma_start3A_194] : memref<10112x128xf32, #tpu.memory_space<vmem_shared>> -> memref<632x128xf32, #tpu.memory_space<vmem_shared>>
      tpu.enqueue_dma source(%dma_start3A_195 : memref<632x128xf32, #tpu.memory_space<vmem_shared>>) target(%dma_start3A_193 : memref<632x128xf32, #tpu.memory_space<hbm>>) target_semaphore(%run_scoped3A : memref<!tpu.dma_semaphore, #tpu.memory_space<semaphore_mem>>)
      %dma_wait3A_196 = arith.constant 0 : i32
      %dma_wait3A_197 = tpu.memref_slice %arg6[%add3A_191, %dma_wait3A_196] : memref<20224x128xf32, #tpu.memory_space<hbm>> -> memref<632x128xf32, #tpu.memory_space<hbm>>
      %dma_wait3A_198 = arith.constant 0 : i32
      %dma_wait3A_199 = tpu.memref_slice %arg13[%mul3A_2, %dma_wait3A_198] : memref<10112x128xf32, #tpu.memory_space<vmem_shared>> -> memref<632x128xf32, #tpu.memory_space<vmem_shared>>
      tpu.wait_dma2 semaphore(%run_scoped3A : memref<!tpu.dma_semaphore, #tpu.memory_space<semaphore_mem>>) src(%dma_wait3A_199 : memref<632x128xf32, #tpu.memory_space<vmem_shared>>) dst(%dma_wait3A_197 : memref<632x128xf32, #tpu.memory_space<hbm>>)
      tpu.yield
    }) : () -> ()
    return
  }
}

module attributes {stable_mosaic.version = 14 : i64} {
  func.func @body(%arg0: i32, %arg1: memref<2000x128xf32, #tpu.memory_space<vmem>>, %arg2: memref<2000x128xf32, #tpu.memory_space<vmem>>, %arg3: memref<2000x128xf32, #tpu.memory_space<vmem>>, %arg4: memref<128x256xf32, #tpu.memory_space<vmem>>, %arg5: memref<1x256xf32, #tpu.memory_space<vmem>>, %arg6: memref<128x256xf32, #tpu.memory_space<vmem>>, %arg7: memref<256x128xf32, #tpu.memory_space<vmem>>, %arg8: memref<2000x256xf32, #tpu.memory_space<vmem>>, %arg9: memref<2000x128xf32, #tpu.memory_space<vmem>>) attributes {dimension_semantics = [#tpu.dimension_semantics<arbitrary>], iteration_bounds = array<i64: 5>, scalar_prefetch = 0 : i64, scratch_operands = 0 : i64, tpu.core_type = #tpu.core_type<tc>, window_params = [{transform_indices = @transform_0, window_bounds = array<i64: 2000, 128>}, {transform_indices = @transform_1, window_bounds = array<i64: 2000, 128>}, {transform_indices = @transform_2, window_bounds = array<i64: 2000, 128>}, {pipeline_mode = #tpu.pipeline_mode<synchronous>, transform_indices = @transform_3, window_bounds = array<i64: 128, 256>}, {pipeline_mode = #tpu.pipeline_mode<synchronous>, transform_indices = @transform_4, window_bounds = array<i64: 1, 256>}, {pipeline_mode = #tpu.pipeline_mode<synchronous>, transform_indices = @transform_5, window_bounds = array<i64: 128, 256>}, {pipeline_mode = #tpu.pipeline_mode<synchronous>, transform_indices = @transform_6, window_bounds = array<i64: 256, 128>}, {transform_indices = @transform_7, window_bounds = array<i64: 2000, 256>}, {transform_indices = @transform_8, window_bounds = array<i64: 2000, 128>}]} {
    %get3A = arith.constant 0 : index
    %get3A_0 = arith.constant 0 : index
    %get3A_1 = vector.load %arg1[%get3A, %get3A_0] : memref<2000x128xf32, #tpu.memory_space<vmem>>, vector<2000x128xf32>
    %get3A_2 = arith.constant 0 : index
    %get3A_3 = arith.constant 0 : index
    %get3A_4 = vector.load %arg2[%get3A_2, %get3A_3] : memref<2000x128xf32, #tpu.memory_space<vmem>>, vector<2000x128xf32>
    %add3A = arith.addf %get3A_1, %get3A_4 : vector<2000x128xf32>
    %get3A_5 = arith.constant 0 : index
    %get3A_6 = arith.constant 0 : index
    %get3A_7 = vector.load %arg4[%get3A_5, %get3A_6] : memref<128x256xf32, #tpu.memory_space<vmem>>, vector<128x256xf32>
    %dot_general3A = arith.constant dense<0.000000e+00> : vector<2000x256xf32>
    %dot_general3A_8 = tpu.matmul %add3A, %get3A_7, %dot_general3A {dimension_numbers = #tpu.dot_dimension_numbers<[1], [0], [0], [1], [0, 0, 1, 1], [], []>, transpose_lhs_hint = false} : vector<2000x128xf32>, vector<128x256xf32>, vector<2000x256xf32> -> vector<2000x256xf32>
    %get3A_9 = arith.constant 0 : index
    %get3A_10 = arith.constant 0 : index
    %get3A_11 = vector.load %arg3[%get3A_9, %get3A_10] : memref<2000x128xf32, #tpu.memory_space<vmem>>, vector<2000x128xf32>
    %get3A_12 = arith.constant 0 : index
    %get3A_13 = arith.constant 0 : index
    %get3A_14 = vector.load %arg6[%get3A_12, %get3A_13] : memref<128x256xf32, #tpu.memory_space<vmem>>, vector<128x256xf32>
    %dot_general3A_15 = arith.constant dense<0.000000e+00> : vector<2000x256xf32>
    %dot_general3A_16 = tpu.matmul %get3A_11, %get3A_14, %dot_general3A_15 {dimension_numbers = #tpu.dot_dimension_numbers<[1], [0], [0], [1], [0, 0, 1, 1], [], []>, transpose_lhs_hint = false} : vector<2000x128xf32>, vector<128x256xf32>, vector<2000x256xf32> -> vector<2000x256xf32>
    %add3A_17 = arith.addf %dot_general3A_8, %dot_general3A_16 : vector<2000x256xf32>
    %get3A_18 = arith.constant 0 : index
    %get3A_19 = arith.constant 0 : index
    %get3A_20 = vector.load %arg5[%get3A_18, %get3A_19] : memref<1x256xf32, #tpu.memory_space<vmem>>, vector<1x256xf32>
    %add3A_21 = vector.broadcast %get3A_20 : vector<1x256xf32> to vector<2000x256xf32>
    %add3A_22 = arith.addf %add3A_17, %add3A_21 : vector<2000x256xf32>
    %max3A = arith.constant 0.000000e+00 : f32
    %max3A_23 = vector.broadcast %max3A : f32 to vector<2000x256xf32>
    %max3A_24 = arith.maximumf %add3A_22, %max3A_23 : vector<2000x256xf32>
    %swap3A = arith.constant 0 : index
    %swap3A_25 = arith.constant 0 : index
    %swap3A_26 = vector.load %arg8[%swap3A, %swap3A_25] : memref<2000x256xf32, #tpu.memory_space<vmem>>, vector<2000x256xf32>
    tpu.vector_store %arg8[%swap3A, %swap3A_25], %max3A_24 {strides = array<i32>} : memref<2000x256xf32, #tpu.memory_space<vmem>>, vector<2000x256xf32>,
    %get3A_27 = arith.constant 0 : index
    %get3A_28 = arith.constant 0 : index
    %get3A_29 = vector.load %arg7[%get3A_27, %get3A_28] : memref<256x128xf32, #tpu.memory_space<vmem>>, vector<256x128xf32>
    %dot_general3A_30 = arith.constant dense<0.000000e+00> : vector<2000x128xf32>
    %dot_general3A_31 = tpu.matmul %max3A_24, %get3A_29, %dot_general3A_30 {dimension_numbers = #tpu.dot_dimension_numbers<[1], [0], [0], [1], [0, 0, 1, 1], [], []>, transpose_lhs_hint = false} : vector<2000x256xf32>, vector<256x128xf32>, vector<2000x128xf32> -> vector<2000x128xf32>
    %swap3A_32 = arith.constant 0 : index
    %swap3A_33 = arith.constant 0 : index
    %swap3A_34 = vector.load %arg9[%swap3A_32, %swap3A_33] : memref<2000x128xf32, #tpu.memory_space<vmem>>, vector<2000x128xf32>
    tpu.vector_store %arg9[%swap3A_32, %swap3A_33], %dot_general3A_31 {strides = array<i32>} : memref<2000x128xf32, #tpu.memory_space<vmem>>, vector<2000x128xf32>,
    return
  }
  func.func @transform_0(%arg0: i32) -> (i32, i32) {
    %c0_i32 = arith.constant 0 : i32
    %c0_i32_0 = arith.constant 0 : i32
    return %arg0, %c0_i32 : i32, i32
  }
  func.func @transform_1(%arg0: i32) -> (i32, i32) {
    %c0_i32 = arith.constant 0 : i32
    %c0_i32_0 = arith.constant 0 : i32
    return %arg0, %c0_i32 : i32, i32
  }
  func.func @transform_2(%arg0: i32) -> (i32, i32) {
    %c0_i32 = arith.constant 0 : i32
    %c0_i32_0 = arith.constant 0 : i32
    return %arg0, %c0_i32 : i32, i32
  }
  func.func @transform_3(%arg0: i32) -> (i32, i32) {
    %c0_i32 = arith.constant 0 : i32
    %c0_i32_0 = arith.constant 0 : i32
    %c0_i32_1 = arith.constant 0 : i32
    return %c0_i32, %c0_i32_0 : i32, i32
  }
  func.func @transform_4(%arg0: i32) -> (i32, i32) {
    %c0_i32 = arith.constant 0 : i32
    %c0_i32_0 = arith.constant 0 : i32
    %c0_i32_1 = arith.constant 0 : i32
    return %c0_i32, %c0_i32_0 : i32, i32
  }
  func.func @transform_5(%arg0: i32) -> (i32, i32) {
    %c0_i32 = arith.constant 0 : i32
    %c0_i32_0 = arith.constant 0 : i32
    %c0_i32_1 = arith.constant 0 : i32
    return %c0_i32, %c0_i32_0 : i32, i32
  }
  func.func @transform_6(%arg0: i32) -> (i32, i32) {
    %c0_i32 = arith.constant 0 : i32
    %c0_i32_0 = arith.constant 0 : i32
    %c0_i32_1 = arith.constant 0 : i32
    return %c0_i32, %c0_i32_0 : i32, i32
  }
  func.func @transform_7(%arg0: i32) -> (i32, i32) {
    %c0_i32 = arith.constant 0 : i32
    %c0_i32_0 = arith.constant 0 : i32
    return %arg0, %c0_i32 : i32, i32
  }
  func.func @transform_8(%arg0: i32) -> (i32, i32) {
    %c0_i32 = arith.constant 0 : i32
    %c0_i32_0 = arith.constant 0 : i32
    return %arg0, %c0_i32 : i32, i32
  }
}

module attributes {stable_mosaic.version = 14 : i64} {
  func.func @body(%arg0: i32, %arg1: memref<2000x128xf32, #tpu.memory_space<vmem>>, %arg2: memref<2000x128xf32, #tpu.memory_space<vmem>>, %arg3: memref<2000x256xf32, #tpu.memory_space<vmem>>, %arg4: memref<1x128xf32, #tpu.memory_space<vmem>>, %arg5: memref<256x128xf32, #tpu.memory_space<vmem>>, %arg6: memref<2000x128xf32, #tpu.memory_space<vmem>>) attributes {dimension_semantics = [#tpu.dimension_semantics<arbitrary>], iteration_bounds = array<i64: 5>, scalar_prefetch = 0 : i64, scratch_operands = 0 : i64, tpu.core_type = #tpu.core_type<tc>, window_params = [{transform_indices = @transform_0, window_bounds = array<i64: 2000, 128>}, {transform_indices = @transform_1, window_bounds = array<i64: 2000, 128>}, {transform_indices = @transform_2, window_bounds = array<i64: 2000, 256>}, {pipeline_mode = #tpu.pipeline_mode<synchronous>, transform_indices = @transform_3, window_bounds = array<i64: 1, 128>}, {pipeline_mode = #tpu.pipeline_mode<synchronous>, transform_indices = @transform_4, window_bounds = array<i64: 256, 128>}, {transform_indices = @transform_5, window_bounds = array<i64: 2000, 128>}]} {
    %get3A = arith.constant 0 : index
    %get3A_0 = arith.constant 0 : index
    %get3A_1 = vector.load %arg3[%get3A, %get3A_0] : memref<2000x256xf32, #tpu.memory_space<vmem>>, vector<2000x256xf32>
    %get3A_2 = arith.constant 0 : index
    %get3A_3 = arith.constant 0 : index
    %get3A_4 = vector.load %arg5[%get3A_2, %get3A_3] : memref<256x128xf32, #tpu.memory_space<vmem>>, vector<256x128xf32>
    %dot_general3A = arith.constant dense<0.000000e+00> : vector<2000x128xf32>
    %dot_general3A_5 = tpu.matmul %get3A_1, %get3A_4, %dot_general3A {dimension_numbers = #tpu.dot_dimension_numbers<[1], [0], [0], [1], [0, 0, 1, 1], [], []>, transpose_lhs_hint = false} : vector<2000x256xf32>, vector<256x128xf32>, vector<2000x128xf32> -> vector<2000x128xf32>
    %get3A_6 = arith.constant 0 : index
    %get3A_7 = arith.constant 0 : index
    %get3A_8 = vector.load %arg1[%get3A_6, %get3A_7] : memref<2000x128xf32, #tpu.memory_space<vmem>>, vector<2000x128xf32>
    %get3A_9 = arith.constant 0 : index
    %get3A_10 = arith.constant 0 : index
    %get3A_11 = vector.load %arg2[%get3A_9, %get3A_10] : memref<2000x128xf32, #tpu.memory_space<vmem>>, vector<2000x128xf32>
    %add3A = arith.addf %get3A_8, %get3A_11 : vector<2000x128xf32>
    %get3A_12 = arith.constant 0 : index
    %get3A_13 = arith.constant 0 : index
    %get3A_14 = vector.load %arg4[%get3A_12, %get3A_13] : memref<1x128xf32, #tpu.memory_space<vmem>>, vector<1x128xf32>
    %add3A_15 = vector.broadcast %get3A_14 : vector<1x128xf32> to vector<2000x128xf32>
    %add3A_16 = arith.addf %add3A, %add3A_15 : vector<2000x128xf32>
    %add3A_17 = arith.addf %add3A_16, %dot_general3A_5 : vector<2000x128xf32>
    %swap3A = arith.constant 0 : index
    %swap3A_18 = arith.constant 0 : index
    %swap3A_19 = vector.load %arg6[%swap3A, %swap3A_18] : memref<2000x128xf32, #tpu.memory_space<vmem>>, vector<2000x128xf32>
    tpu.vector_store %arg6[%swap3A, %swap3A_18], %add3A_17 {strides = array<i32>} : memref<2000x128xf32, #tpu.memory_space<vmem>>, vector<2000x128xf32>,
    return
  }
  func.func @transform_0(%arg0: i32) -> (i32, i32) {
    %c0_i32 = arith.constant 0 : i32
    %c0_i32_0 = arith.constant 0 : i32
    return %arg0, %c0_i32 : i32, i32
  }
  func.func @transform_1(%arg0: i32) -> (i32, i32) {
    %c0_i32 = arith.constant 0 : i32
    %c0_i32_0 = arith.constant 0 : i32
    return %arg0, %c0_i32 : i32, i32
  }
  func.func @transform_2(%arg0: i32) -> (i32, i32) {
    %c0_i32 = arith.constant 0 : i32
    %c0_i32_0 = arith.constant 0 : i32
    return %arg0, %c0_i32 : i32, i32
  }
  func.func @transform_3(%arg0: i32) -> (i32, i32) {
    %c0_i32 = arith.constant 0 : i32
    %c0_i32_0 = arith.constant 0 : i32
    %c0_i32_1 = arith.constant 0 : i32
    return %c0_i32, %c0_i32_0 : i32, i32
  }
  func.func @transform_4(%arg0: i32) -> (i32, i32) {
    %c0_i32 = arith.constant 0 : i32
    %c0_i32_0 = arith.constant 0 : i32
    %c0_i32_1 = arith.constant 0 : i32
    return %c0_i32, %c0_i32_0 : i32, i32
  }
  func.func @transform_5(%arg0: i32) -> (i32, i32) {
    %c0_i32 = arith.constant 0 : i32
    %c0_i32_0 = arith.constant 0 : i32
    return %arg0, %c0_i32 : i32, i32
  }
}

</mosaic_0001>

<sc_bundles>
// kernel: kernel.6.cloned.1.call-start
scs
__scs_entry_jumppad:
0x0: {  	(pc) =	sbr.rel $0x88, $3  }
0x1: {  	(tag) =	ssettag $0x0;
	lr =	simm.s32 $0x1  }
0x2: {  	[smem:$0x3F99] =	sst lr;
	_ =	strace $0xD0000000  }
0x3: {  	_ = 	snop  }
0x4: {  	_ = 	snop  }
0x5: {  	_ = 	snop  }
0x6: {  	_ = 	snop  }
0x7: {  	_ = 	snop  }
__scs_overlays_trampoline_lowered:
0x8: {  	[smem:$0x3FA8] =	sst s0  }
0x9: {  	[smem:$0x3FA9] =	sst s1  }
0xa: {  	[smem:$0x3FAA] =	sst s2  }
0xb: {  	[smem:$0x3FAB] =	sst s3  }
0xc: {  	[smem:$0x3FAC] =	sst s4  }
0xd: {  	[smem:$0x3FAD] =	sst s5  }
0xe: {  	[smem:$0x3FAE] =	sst s6  }
0xf: {  	[smem:$0x3FAF] =	sst s7  }
0x10: {  	[smem:$0x3FB0] =	sst s8  }
0x11: {  	[smem:$0x3FB1] =	sst s9;
	s0 =	simm.s32 @!p0 $0x0  }
0x12: {  	s1 =	sld [smem:$0x3F97];
	s0 =	simm.s32 @p0 $0x1  }
0x13: {  	[smem:$0x3FB2] =	sst s0;
	s0 =	simm.s32 @!p1 $0x0  }
0x14: {  	s2 =	sld [smem:$0x3F96];
	s0 =	simm.s32 @p1 $0x1  }
0x15: {  	[smem:$0x3FB3] =	sst s0;
	s0 =	simm.s32 @!p2 $0x0  }
0x16: {  	s3 =	sld [smem:$0x3FDB];
	s0 =	simm.s32 @p2 $0x1  }
0x17: {  	s4 =	simm.s32 $0x1BF5;
	[smem:$0x3FB5] =	sst s0  }
0x18: {  	s0 =	sld [smem:$0x3F98];
	_ =	swait.ge [sflag:s4], $0x0  }
0x19: {  	s7 =	sld [smem:$0x3F99]  }
0x1a: {  	s8 =	sadd.s32 $0xFFFFE003, lr  }
0x1b: {  	s9 =	sadd.s32 $0xFFFFFEF7, lr;
	s5 =	simm.s32 $0xFFFFFFFF;
	p2 =	slt.u32 s8, $0xFFFFF086  }
0x1c: {  	p1 =	slt.u32 s9, $0xF7A;
	s5 =	simm.s32 @!p2 $0x0  }
0x1d: {  	s5 =	simm.s32 @p1 $0x1;
	p0 =	seq.s32 s7, s2  }
0x1e: {  	s7 =	smul.u32 @!p0 $0xF7A, s2;
	p2 =	seq.s32 @!p0 s5, $0x0  }
0x1f: {  	s9 =	smul.u32 $0xF7A, s1;
	s8 =	simm.s32 @!p0 $0x1BF5;
	p2 =	por !p2, p0  }
0x20: {  	[sflag:s8] =	ssyncset.s32 @!p0 $0xFFFFF086;
	s6 =	sadd.s32 @!p0 s3, s7;
	s7 =	simm.s32 @!p0 $0x108  }
0x21: {  	s3 =	sadd.s32 s3, s9;
	s6 =	sadd.s32 @!p0 $0x88, s6;
	s7 =	simm.s32 @p2 $0x1082  }
0x22: {  	[simem:s7], [sflag:s8] =	dma.local @!p0 [hbm:s6], $0xF7A  }
0x23: {  	s9 =	sor.u32 $0xD0000000, s2;
	s6 =	simm.s32 $0x108;
	_ =	swait.ge @!p0 [sflag:s8], $0x0  }
0x24: {  	s3 =	sadd.s32 $0x88, s3;
	s6 =	simm.s32 @!p1 $0x1082;
	[sflag:s4] =	ssyncset.s32 $0xFFFFF086  }
0x25: {  	[simem:s6], [sflag:s4] =	dma.local [hbm:s3], $0xF7A  }
0x26: {  	[smem:$0x3F99] =	sst s1;
	(tag) =	ssettag s2;
	_ =	strace s9  }
0x27: {  	s1 =	sld [smem:$0x3FA9]  }
0x28: {  	s2 =	sld [smem:$0x3FAA]  }
0x29: {  	s4 =	sld [smem:$0x3FAC]  }
0x2a: {  	p0 =	seq.s32 s5, $0x0;
	s5 =	sld [smem:$0x3FAD]  }
0x2b: {  	s6 =	sld [smem:$0x3FAE]  }
0x2c: {  	s7 =	sld [smem:$0x3FAF]  }
0x2d: {  	s3 =	simm.s32 $0x108;
	s8 =	sld [smem:$0x3FB0]  }
0x2e: {  	s3 =	simm.s32 @!p0 $0x1082;
	s9 =	sld [smem:$0x3FB1]  }
0x2f: {  	lr =	sadd.s32 s0, s3;
	s0 =	sld [smem:$0x3FA8]  }
0x30: {  	s3 =	sld [smem:$0x3FAB]  }
0x31: {  	[smem:$0x3FB4] =	sst s10  }
0x32: {  	s10 =	sld [smem:$0x3FB2];
	_ =	sdelay $0x3  }
0x33: {  	p0 =	seq.s32 s10, $0x1;
	s10 =	sld [smem:$0x3FB4];
	_ =	sdelay $0x3  }
0x34: {  	[smem:$0x3FB4] =	sst s10  }
0x35: {  	s10 =	sld [smem:$0x3FB3];
	_ =	sdelay $0x3  }
0x36: {  	p1 =	seq.s32 s10, $0x1;
	s10 =	sld [smem:$0x3FB4];
	_ =	sdelay $0x3  }
0x37: {  	[smem:$0x3FB4] =	sst s10  }
0x38: {  	s10 =	sld [smem:$0x3FB5]  }
0x39: {  	_ = 	snop;
	(pc) =	sbr.ind lr, $3  }
0x3a: {  	_ = 	snop  }
0x3b: {  	_ = 	snop  }
0x3c: {  	p2 =	seq.s32 s10, $0x1;
	s10 =	sld [smem:$0x3FB4]  }
0x3d: {  	_ =	shalt  }
0x3e: {  	_ =	shalt  }
0x3f: {  	_ =	shalt  }
0x40: {  	_ =	shalt  }
0x41: {  	_ =	shalt  }
0x42: {  	_ =	shalt  }
0x43: {  	_ =	shalt  }
0x44: {  	_ =	shalt  }
0x45: {  	_ =	shalt  }
0x46: {  	_ =	shalt  }
0x47: {  	_ =	shalt  }
0x48: {  	_ =	shalt  }
0x49: {  	_ =	shalt  }
0x4a: {  	_ =	shalt  }
0x4b: {  	_ =	shalt  }
0x4c: {  	_ =	shalt  }
0x4d: {  	_ =	shalt  }
0x4e: {  	_ =	shalt  }
0x4f: {  	_ =	shalt  }
0x50: {  	_ =	shalt  }
0x51: {  	_ =	shalt  }
0x52: {  	_ =	shalt  }
0x53: {  	_ =	shalt  }
0x54: {  	_ =	shalt  }
0x55: {  	_ =	shalt  }
0x56: {  	_ =	shalt  }
0x57: {  	_ =	shalt  }
0x58: {  	_ =	shalt  }
0x59: {  	_ =	shalt  }
0x5a: {  	_ =	shalt  }
0x5b: {  	_ =	shalt  }
0x5c: {  	_ =	shalt  }
0x5d: {  	_ =	shalt  }
0x5e: {  	_ =	shalt  }
0x5f: {  	_ =	shalt  }
0x60: {  	_ =	shalt  }
0x61: {  	_ =	shalt  }
0x62: {  	_ =	shalt  }
0x63: {  	_ =	shalt  }
0x64: {  	_ =	shalt  }
0x65: {  	_ =	shalt  }
0x66: {  	_ =	shalt  }
0x67: {  	_ =	shalt  }
0x68: {  	_ =	shalt  }
0x69: {  	_ =	shalt  }
0x6a: {  	_ =	shalt  }
0x6b: {  	_ =	shalt  }
0x6c: {  	_ =	shalt  }
0x6d: {  	_ =	shalt  }
0x6e: {  	_ =	shalt  }
0x6f: {  	_ =	shalt  }
0x70: {  	_ =	shalt  }
0x71: {  	_ =	shalt  }
0x72: {  	_ =	shalt  }
0x73: {  	_ =	shalt  }
0x74: {  	_ =	shalt  }
0x75: {  	_ =	shalt  }
0x76: {  	_ =	shalt  }
0x77: {  	_ =	shalt  }
0x78: {  	_ =	shalt  }
0x79: {  	_ =	shalt  }
0x7a: {  	_ =	shalt  }
0x7b: {  	_ =	shalt  }
0x7c: {  	_ =	shalt  }
0x7d: {  	_ =	shalt  }
0x7e: {  	_ =	shalt  }
0x7f: {  	_ =	shalt  }
0x80: {  	_ =	shalt  }
0x81: {  	_ =	shalt  }
0x82: {  	_ =	shalt  }
0x83: {  	_ =	shalt  }
0x84: {  	_ =	shalt  }
0x85: {  	_ =	shalt  }
0x86: {  	_ =	shalt  }
0x87: {  	_ =	shalt  }
.Lfunc_end0:
.L_simem_size_0:
called_computation_lowered:
.L_overlay_start_0:
0x88: {  	s2 =	sld [smem:$0x3FD9]  }
0x89: {  	s3 =	sld [smem:$0x3FFE];
	_ =	sdelay $0x1  }
0x8a: {  	s1 =	srdreg.scid  }
0x8b: {  	s0 =	sand.u32 $0x1, s1  }
0x8c: {  	s17 =	sshll.u32 s0, $0xA;
	s2 =	sadd.s32 s3, s2  }
0x8d: {  	s2 =	sadd.s32 s2, s17  }
0x8e: {  	[smem:$0x3FC0] =	sst s2  }
0x8f: {  	_ = 	snop  }
0x90: {  	s2 =	sld [smem:$0x3FC9];
	(tm) =	ssettm $0x1  }
0x91: {  	s18 =	sld [smem:$0x3FFB];
	_ =	sdelay $0x3  }
0x92: {  	_ =	strace s18  }
0x93: {  	s3 =	sld [smem:$0x3FFC];
	_ =	sdelay $0x3  }
0x94: {  	_ =	strace s3  }
0x95: {  	s3 =	sld [smem:$0x3FFD];
	_ =	sdelay $0x3  }
0x96: {  	_ =	strace s3  }
0x97: {  	_ =	strace $0x8FFFFFFF  }
0x98: {  	s19 =	sld [smem:$0x3FDB];
	_ =	sdelay $0x1  }
0x99: {  	s4 =	simm.s32 $_scs_section_size  }
0x9a: {  	s5 =	simm.s32 $_size__tile_overlayer_lowered;
	s6 =	simm.s32 $_tile_overlayer_lowered  }
0x9b: {  	s22 =	simm.s32 $0x1BFF;
	s21 =	sshll.u32 s6, $0x1;
	s3 =	sadd.s32 s4, s19  }
0x9c: {  	s7 =	simm.s32 $0x0;
	s20 =	sshll.u32 s5, $0x1;
	s5 =	sadd.s32 s21, s3  }
0x9d: {  	[timem:s7], [sflag:s22] =	dma.local [hbm:s5], s20  }
0x9e: {  	_ =	swait.ge [sflag:s22], s20  }
0x9f: {  	s4 =	ssub.s32 $0x0, s20;
	[sflag:s22] =	ssyncset.done $0x0  }
0xa0: {  	[sflag:s22] =	ssyncadd.s32 s4;
	_ =	sdelay $0x1  }
0xa1: {  	s23 =	simm.s32 $0x1B8B  }
0xa2: {  	_ =	swait.ge [sflag:s23], $0x1  }
0xa3: {  	[sflag:s23] =	ssyncset.done $0x0  }
0xa4: {  	s25 =	simm.s32 $0x1B8E;
	s24 =	sld [smem:$0x3FFE];
	[sflag:s23] =	ssyncadd.s32 $0xFFFFFFFF  }
0xa5: {  	s26 =	simm.s32 $execute0_lowered;
	[smem:$0x3FD2] =	sst s25  }
0xa6: {  	s5 =	sshll.u32 s26, $0x1;
	_ =	strace $0x80000046;
	[dreg:$0x1] =	wrdreg $0xFFFFFFFF  }
0xa7: {  	s28 =	simm.s32 $_size_execute0_lowered;
	s3 =	sadd.s32 s3, s5;
	[dreg:$0x0] =	wrdreg $0x0  }
0xa8: {  	s5 =	sshll.u32 s28, $0x1;
	[dreg:$0x2] =	wrdreg s3  }
0xa9: {  	[dreg:$0x3] =	wrdreg s5  }
0xaa: {  	[dreg:$0x4] =	wrdreg $0xC0  }
0xab: {  	_ =	task [dreg:s7], $0x5FFFF  }
0xac: {  	[dreg:$0x1] =	wrdreg $0xFFFFFFFF  }
0xad: {  	[dreg:$0x0] =	wrdreg $0x60  }
0xae: {  	[dreg:$0x2] =	wrdreg s2  }
0xaf: {  	[dreg:$0x3] =	wrdreg s24  }
0xb0: {  	[dreg:$0x4] =	wrdreg $0x72000  }
0xb1: {  	[dreg:$0x5] =	wrdreg $0x9  }
0xb2: {  	_ =	task.clear_ibuf [dreg:s7], $0x6FFFF;
	_ =	strace $0x90000046  }
0xb3: {  	s29 =	simm.s32 $0x9;
	_ =	strace $0x80000048  }
0xb4: {  	_ =	swait.ge [sflag:s29], $0x1  }
0xb5: {  	[sflag:s29] =	ssyncadd.s32 $0xFFFFFFFF  }
0xb6: {  	_ =	strace $0x90000048  }
0xb7: {  	_ =	sfence  }
0xb8: {  	s30 =	sld [smem:$0x0];
	_ =	sdelay $0x2  }
0xb9: {  	s31 =	sshll.u32 s1, $0xD;
	s1 =	sshrl.u32 s1, $0x2  }
0xba: {  	s3 =	sand.u32 $0x4000, s31;
	s1 =	sadd.s32 s1, s30  }
0xbb: {  	s0 =	sor.u32 s3, s0;
	s1 =	sshll.u32 s1, $0x11  }
0xbc: {  	s0 =	sor.u32 s1, s0  }
0xbd: {  	s0 =	sadd.s32 $0x8F2B, s0  }
0xbe: {  	[sflag:s0] =	ssyncadd.remote.s32 $0x1  }
0xbf: {  	_ =	sfence.sel $0xFFFF  }
0xc0: {  	[dreg:$0x0] =	wrdreg $0xFFFFFFFF;
	(pc) =	sbr.abs _section_cstart, $3  }
0xc1: {  	[dreg:$0x1] =	wrdreg $0xFFFFFFFF  }
0xc2: {  	_ =	task.clear_ibuf [dreg:s7], $0x2FFFF;
	_ =	strace $0x9FFFFFFF  }
0xc3: {  	(tm) =	ssettm $0x7FFFFFFF  }
tec
execute0_lowered:
.L_overlay_start_1:
0x0: {  	(tag) =	ssettag $0x1  }
0x1: {  	s1 =	rddreg [dreg:$0x0]  }
0x2: {  	s0 =	rddreg [dreg:$0x1]  }
0x3: {  	s3 =	rddreg [dreg:$0x2];
	s4 =	simm.s32 $0x0  }
0x4: {  	s13 =	stileid.u32;
	s7 =	srdreg.scid;
	s28 =	simm.s32 $0x3  }
0x5: {  	s29 =	simm.s32 $0x180;
	s30 =	simm.s32 $0x2;
	s31 =	simm.s32 $0x3A00  }
0x6: {  	[smem:$0x7FF] =	sst s4;
	s2 =	smul.u32 $0x2780, s13;
	s5 =	sadd.s32 $0xE800, s0  }
0x7: {  	s6 =	sadd.s32 $0x2800, s0;
	s7 =	sand.u32 $0x1, s7;
	s10 =	sshll.u32 s13, $0x1  }
0x8: {  	s12 =	smul.u32 $0x4F000, s13;
	s17 =	sshll.u32 s13, $0x6;
	_ =	strace $0x80000047  }
0x9: {  	s9 =	smul.u32 $0x27800, s7;
	s11 =	ssub.s32 $0x2, s7;
	s7 =	sor.u32 s7, s10  }
0xa: {  	s8 =	sadd.s32 s2, s0;
	s10 =	sshrl.u32 s11, $0x1;
	s7 =	smul.u32 $0x3000, s7  }
0xb: {  	s15 =	sshrl.u32 s12, $0x2;
	s2 =	sadd.s32 s2, s9;
	s14 =	ssub.s32 s11, s10  }
0xc: {  	s16 =	sadd.s32 s15, s3;
	s8 =	sadd.s32 $0x1A800, s8;
	s9 =	sor.u32 $0x1C09, s17  }
0xd: {  	s11 =	simm.s32 $0x8;
	s0 =	sadd.s32 s2, s0;
	s18 =	sshrl.u32 s7, $0x3  }
0xe: {  	[dreg:$0x4] =	wrdreg s8;
	s26 =	smax.u32 s14, $0x1;
	s2 =	simm.s32 $0x4  }
0xf: {  	s19 =	sor.u32 $0x10, s18;
	s12 =	sadd.s32 s6, s18;
	[dreg:$0xd] =	wrdreg s26  }
0x10: {  	s20 =	sadd.s32 s5, s18;
	s22 =	sor.u32 $0x20, s18;
	[dreg:$0x7] =	wrdreg s12  }
0x11: {  	s0 =	sadd.s32 $0x42000, s0;
	s26 =	simm.s32 $0x5;
	[dreg:$0x5] =	wrdreg s20  }
0x12: {  	s21 =	sadd.s32 s5, s19;
	s23 =	sadd.s32 s5, s22;
	[dreg:$0xc] =	wrdreg s0  }
0x13: {  	s8 =	sadd.s32 s6, s19;
	s24 =	sadd.s32 $0x30, s20;
	[dreg:$0x6] =	wrdreg s21  }
0x14: {  	s25 =	sadd.s32 s6, s22;
	s19 =	sshrl.u32 s16, $0x3;
	[dreg:$0x8] =	wrdreg s23  }
0x15: {  	s20 =	simm.s32 $0x9;
	s22 =	simm.s32 $0x100;
	[dreg:$0x9] =	wrdreg s8  }
0x16: {  	s0 =	simm.s32 $0x6;
	s12 =	simm.s32 $0x0;
	[dreg:$0xa] =	wrdreg s24  }
0x17: {  	[dreg:$0xb] =	wrdreg s25;
	s21 =	simm.s32 $0x80;
	s23 =	simm.s32 $0x1  }
0x18: {  	s24 =	simm.s32 $0x70;
	s25 =	simm.s32 $0x200;
	s8 =	simm.s32 $0x7  }
.LBB2_1:
0x19: {  	s10 =	rddreg [dreg:$0x4]  }
0x1a: {  	[spmem:s19], [sflag:s9] =	dma.local [hbm:s10], $0x2780  }
0x1b: {  	_ =	swait.ge [sflag:s20], $0x2780  }
0x1c: {  	[sflag:s20] =	ssyncset.done $0x0  }
0x1d: {  	[sflag:s20] =	ssyncadd.s32 $0xFFFFD880  }
0x1e: {  	[bflag:$0x0] =	sbarrier.arrive $0xFFFF  }
0x1f: {  	s15 =	rddreg [dreg:$0x5]  }
0x20: {  	[tilespmem:s4], [sflag:$0x1] =	stream.linear.gather [hbm4b:s15+s4], $0x80, $0x38;
	[tilespmem:$0x1AE00] =	vst v63  }
0x21: {  	s16 =	rddreg [dreg:$0x6]  }
0x22: {  	[tilespmem:s21], [sflag:$0x2] =	stream.linear.gather [hbm4b:s16+s4], $0x80, $0x38;
	[tilespmem:$0x1AE00] =	vst v63  }
0x23: {  	s17 =	rddreg [dreg:$0x7]  }
0x24: {  	[tilespmem:s22], [sflag:$0x3] =	stream.linear.gather [hbm4b:s17+s4], $0x80, $0x38;
	[tilespmem:$0x1AE00] =	vst v63  }
0x25: {  	_ =	swait.ge [sflag:s23], $0x80  }
0x26: {  	[sflag:s23] =	ssyncset.done $0x0  }
0x27: {  	[sflag:s23] =	ssyncadd.s32 $0xFFFFFF80  }
0x28: {  	[tilespmem:s25], [sflag:$0x5] =	stream.indirect.gather [hbm4b:s1+s24], $0x80, s4, s24, $0xb8;
	[tilespmem:$0x1AE00] =	vst v63  }
0x29: {  	_ =	swait.ge [sflag:s26], $0x3800  }
0x2a: {  	[sflag:s26] =	ssyncset.done $0x0  }
0x2b: {  	s18 =	rddreg [dreg:$0x8];
	[sflag:s26] =	ssyncadd.s32 $0xFFFFC800  }
0x2c: {  	[tilespmem:s4], [sflag:$0x1] =	stream.linear.gather [hbm4b:s18+s4], $0x80, $0x38;
	[tilespmem:$0x1AE00] =	vst v63  }
0x2d: {  	_ =	swait.ge [sflag:s28], $0x80  }
0x2e: {  	[sflag:s28] =	ssyncset.done $0x0  }
0x2f: {  	[sflag:s28] =	ssyncadd.s32 $0xFFFFFF80  }
0x30: {  	[spmem:s3] =	stream.indirect.scatter.add.f32 [tilespmem:s25], [sflag:$0x7], $0x80, s22, s24, $0xb8;
	[tilespmem:$0x1AE00] =	vst v63  }
0x31: {  	s13 =	rddreg [dreg:$0x9]  }
0x32: {  	[tilespmem:s29], [sflag:$0x4] =	stream.linear.gather [hbm4b:s13+s4], $0x80, $0x38;
	[tilespmem:$0x1AE00] =	vst v63  }
0x33: {  	_ =	swait.ge [sflag:s30], $0x80  }
0x34: {  	[sflag:s30] =	ssyncset.done $0x0  }
0x35: {  	[sflag:s30] =	ssyncadd.s32 $0xFFFFFF80  }
0x36: {  	[tilespmem:s31], [sflag:$0x6] =	stream.indirect.gather [hbm4b:s1+s24], $0x80, s21, s24, $0xb8;
	[tilespmem:$0x1AE00] =	vst v63  }
0x37: {  	_ =	swait.ge [sflag:s0], $0x3800  }
0x38: {  	[sflag:s0] =	ssyncset.done $0x0  }
0x39: {  	s14 =	rddreg [dreg:$0xa];
	[sflag:s0] =	ssyncadd.s32 $0xFFFFC800  }
0x3a: {  	[tilespmem:s21], [sflag:$0x2] =	stream.linear.gather [hbm4b:s14+s4], $0x80, $0x38;
	[tilespmem:$0x1AE00] =	vst v63  }
0x3b: {  	_ =	swait.ge [sflag:s2], $0x80  }
0x3c: {  	[sflag:s2] =	ssyncset.done $0x0  }
0x3d: {  	[sflag:s2] =	ssyncadd.s32 $0xFFFFFF80  }
0x3e: {  	[spmem:s3] =	stream.indirect.scatter.add.f32 [tilespmem:s31], [sflag:$0x8], $0x80, s29, s24, $0xb8;
	[tilespmem:$0x1AE00] =	vst v63  }
0x3f: {  	_ =	swait.ge [sflag:s8], $0x3800  }
0x40: {  	[sflag:s8] =	ssyncset.done $0x0  }
0x41: {  	s15 =	rddreg [dreg:$0xb];
	[sflag:s8] =	ssyncadd.s32 $0xFFFFC800  }
0x42: {  	[tilespmem:s22], [sflag:$0x3] =	stream.linear.gather [hbm4b:s15+s4], $0x80, $0x38;
	[tilespmem:$0x1AE00] =	vst v63  }
0x43: {  	s13 =	simm.s32 $0x200;
	_ =	swait.ge [sflag:s23], $0x80  }
0x44: {  	s14 =	sand.u32 $0x7C00, s13;
	[sflag:s23] =	ssyncset.done $0x0  }
0x45: {  	s13 =	sand.u32 $0x300, s13;
	s14 =	sadd.s32 s7, s14;
	[sflag:s23] =	ssyncadd.s32 $0xFFFFFF80  }
0x46: {  	[tilespmem:s25], [sflag:$0x5] =	stream.indirect.gather [hbm4b:s1+s24], $0x80, s4, s24, $0xb8;
	[tilespmem:$0x1AE00] =	vst v63  }
0x47: {  	s13 =	sor.u32 s13, s14;
	_ =	swait.ge [sflag:s26], $0x3800  }
0x48: {  	s14 =	sshrl.u32 s13, $0x3;
	[sflag:s26] =	ssyncset.done $0x0  }
0x49: {  	s13 =	sadd.s32 s5, s14;
	s15 =	simm.s32 $0x100;
	[sflag:s26] =	ssyncadd.s32 $0xFFFFC800  }
0x4a: {  	[tilespmem:s4], [sflag:$0x1] =	stream.linear.gather [hbm4b:s13+s4], $0x80, $0x38;
	[tilespmem:$0x1AE00] =	vst v63  }
0x4b: {  	s16 =	sand.u32 $0x3C00, s15;
	_ =	swait.ge [sflag:s28], $0x80  }
0x4c: {  	s15 =	sand.u32 $0x300, s15;
	s13 =	sadd.s32 s7, s16;
	[sflag:s28] =	ssyncset.done $0x0  }
0x4d: {  	s13 =	sor.u32 s13, s15;
	[sflag:s28] =	ssyncadd.s32 $0xFFFFFF80  }
0x4e: {  	[spmem:s3] =	stream.indirect.scatter.add.f32 [tilespmem:s25], [sflag:$0x7], $0x80, s22, s24, $0xb8;
	[tilespmem:$0x1AE00] =	vst v63  }
0x4f: {  	s13 =	sor.u32 $0x80, s13;
	_ =	swait.ge [sflag:s11], $0x3800  }
0x50: {  	s13 =	sshrl.u32 s13, $0x3;
	[sflag:s11] =	ssyncset.done $0x0  }
0x51: {  	s13 =	sadd.s32 s6, s13;
	[sflag:s11] =	ssyncadd.s32 $0xFFFFC800  }
0x52: {  	[tilespmem:s29], [sflag:$0x4] =	stream.linear.gather [hbm4b:s13+s4], $0x80, $0x38;
	[tilespmem:$0x1AE00] =	vst v63  }
0x53: {  	s17 =	simm.s32 $0x280;
	_ =	swait.ge [sflag:s30], $0x80  }
0x54: {  	s18 =	sand.u32 $0x7C00, s17;
	[sflag:s30] =	ssyncset.done $0x0  }
0x55: {  	s15 =	sadd.s32 s7, s18;
	s13 =	sand.u32 $0x380, s17;
	[sflag:s30] =	ssyncadd.s32 $0xFFFFFF80  }
0x56: {  	[tilespmem:s31], [sflag:$0x6] =	stream.indirect.gather [hbm4b:s1+s24], $0x80, s21, s24, $0xb8;
	[tilespmem:$0x1AE00] =	vst v63  }
0x57: {  	s13 =	sor.u32 s13, s15;
	_ =	swait.ge [sflag:s0], $0x3800  }
0x58: {  	s13 =	sshrl.u32 s13, $0x3;
	[sflag:s0] =	ssyncset.done $0x0  }
0x59: {  	s13 =	sadd.s32 s5, s13;
	[sflag:s0] =	ssyncadd.s32 $0xFFFFC800  }
0x5a: {  	[tilespmem:s21], [sflag:$0x2] =	stream.linear.gather [hbm4b:s13+s4], $0x80, $0x38;
	[tilespmem:$0x1AE00] =	vst v63  }
0x5b: {  	_ =	swait.ge [sflag:s2], $0x80  }
0x5c: {  	[sflag:s2] =	ssyncset.done $0x0  }
0x5d: {  	s16 =	simm.s32 $0x300;
	[sflag:s2] =	ssyncadd.s32 $0xFFFFFF80  }
0x5e: {  	[spmem:s3] =	stream.indirect.scatter.add.f32 [tilespmem:s31], [sflag:$0x8], $0x80, s29, s24, $0xb8;
	[tilespmem:$0x1AE00] =	vst v63  }
0x5f: {  	s18 =	sand.u32 $0x7C00, s16;
	s17 =	sadd.s32 s6, s14;
	_ =	swait.ge [sflag:s8], $0x3800  }
0x60: {  	s15 =	simm.s32 $0x480;
	s13 =	simm.s32 $0x380;
	[sflag:s8] =	ssyncset.done $0x0  }
.LBB2_2:
0x61: {  	s18 =	sadd.s32 s7, s18  }
0x62: {  	s16 =	sand.u32 $0x300, s16;
	[sflag:s8] =	ssyncadd.s32 $0xFFFFC800;
	s10 =	smov.u32 s15  }
0x63: {  	[tilespmem:s22], [sflag:$0x3] =	stream.linear.gather [hbm4b:s17+s4], $0x80, $0x38;
	[tilespmem:$0x1AE00] =	vst v63  }
0x64: {  	s14 =	sadd.s32 $0x100, s15;
	s16 =	sor.u32 s16, s18;
	_ =	swait.ge [sflag:s23], $0x80  }
0x65: {  	p0 =	sne.s32 s15, $0x2D80;
	s15 =	sshrl.u32 s16, $0x3;
	[sflag:s23] =	ssyncset.done $0x0  }
0x66: {  	[sflag:s23] =	ssyncadd.s32 $0xFFFFFF80  }
0x67: {  	[tilespmem:s25], [sflag:$0x5] =	stream.indirect.gather [hbm4b:s1+s24], $0x80, s4, s24, $0xb8;
	[tilespmem:$0x1AE00] =	vst v63  }
0x68: {  	_ =	swait.ge [sflag:s26], $0x3800  }
0x69: {  	s16 =	sadd.s32 s5, s15;
	[sflag:s26] =	ssyncset.done $0x0  }
0x6a: {  	s17 =	sadd.s32 $0xFFFFFE80, s13;
	[sflag:s26] =	ssyncadd.s32 $0xFFFFC800  }
0x6b: {  	[tilespmem:s4], [sflag:$0x1] =	stream.linear.gather [hbm4b:s16+s4], $0x80, $0x38;
	[tilespmem:$0x1AE00] =	vst v63  }
0x6c: {  	s16 =	sand.u32 $0x3C00, s17;
	s17 =	sand.u32 $0x300, s17;
	_ =	swait.ge [sflag:s28], $0x80  }
0x6d: {  	s16 =	sadd.s32 s7, s16;
	[sflag:s28] =	ssyncset.done $0x0  }
0x6e: {  	s16 =	sor.u32 s16, s17;
	[sflag:s28] =	ssyncadd.s32 $0xFFFFFF80  }
0x6f: {  	[spmem:s3] =	stream.indirect.scatter.add.f32 [tilespmem:s25], [sflag:$0x7], $0x80, s22, s24, $0xb8;
	[tilespmem:$0x1AE00] =	vst v63  }
0x70: {  	s16 =	sor.u32 $0x80, s16;
	_ =	swait.ge [sflag:s11], $0x3800  }
0x71: {  	s16 =	sshrl.u32 s16, $0x3;
	[sflag:s11] =	ssyncset.done $0x0  }
0x72: {  	s16 =	sadd.s32 s6, s16;
	[sflag:s11] =	ssyncadd.s32 $0xFFFFC800  }
0x73: {  	[tilespmem:s29], [sflag:$0x4] =	stream.linear.gather [hbm4b:s16+s4], $0x80, $0x38;
	[tilespmem:$0x1AE00] =	vst v63  }
0x74: {  	_ =	swait.ge [sflag:s30], $0x80  }
0x75: {  	[sflag:s30] =	ssyncset.done $0x0  }
0x76: {  	s17 =	sand.u32 $0x380, s13;
	s16 =	sand.u32 $0x7C00, s13;
	[sflag:s30] =	ssyncadd.s32 $0xFFFFFF80  }
0x77: {  	[tilespmem:s31], [sflag:$0x6] =	stream.indirect.gather [hbm4b:s1+s24], $0x80, s21, s24, $0xb8;
	[tilespmem:$0x1AE00] =	vst v63  }
0x78: {  	s13 =	smov.u32 s10;
	s16 =	sadd.s32 s7, s16;
	_ =	swait.ge [sflag:s0], $0x3800  }
0x79: {  	s10 =	sor.u32 s17, s16;
	[sflag:s0] =	ssyncset.done $0x0  }
0x7a: {  	s10 =	sshrl.u32 s10, $0x3;
	[sflag:s0] =	ssyncadd.s32 $0xFFFFC800  }
0x7b: {  	s10 =	sadd.s32 s5, s10  }
0x7c: {  	[tilespmem:s21], [sflag:$0x2] =	stream.linear.gather [hbm4b:s10+s4], $0x80, $0x38;
	[tilespmem:$0x1AE00] =	vst v63  }
0x7d: {  	_ =	swait.ge [sflag:s2], $0x80  }
.Ltmp0:
0x7e: {  	[sflag:s2] =	ssyncset.done $0x0;
	(pc) =	sbr.rel @p0 .LBB2_2-.Ltmp0, $4  }
0x7f: {  	[sflag:s2] =	ssyncadd.s32 $0xFFFFFF80  }
0x80: {  	[spmem:s3] =	stream.indirect.scatter.add.f32 [tilespmem:s31], [sflag:$0x8], $0x80, s29, s24, $0xb8;
	[tilespmem:$0x1AE00] =	vst v63  }
0x81: {  	s16 =	sadd.s32 $0xFFFFFF80, s13;
	s17 =	sadd.s32 s6, s15;
	_ =	swait.ge [sflag:s8], $0x3800  }
0x82: {  	s15 =	smov.u32 s14;
	s18 =	sand.u32 $0x7C00, s16;
	[sflag:s8] =	ssyncset.done $0x0  }
0x83: {  	[sflag:s8] =	ssyncadd.s32 $0xFFFFC800  }
0x84: {  	[tilespmem:s22], [sflag:$0x3] =	stream.linear.gather [hbm4b:s17+s4], $0x80, $0x38;
	[tilespmem:$0x1AE00] =	vst v63  }
0x85: {  	_ =	swait.ge [sflag:s23], $0x80  }
0x86: {  	[sflag:s23] =	ssyncset.done $0x0  }
0x87: {  	s10 =	sadd.s32 s7, s18;
	s14 =	sand.u32 $0x300, s16;
	[sflag:s23] =	ssyncadd.s32 $0xFFFFFF80  }
0x88: {  	[tilespmem:s25], [sflag:$0x5] =	stream.indirect.gather [hbm4b:s1+s24], $0x80, s4, s24, $0xb8;
	[tilespmem:$0x1AE00] =	vst v63  }
0x89: {  	s10 =	sor.u32 s14, s10;
	_ =	swait.ge [sflag:s26], $0x3800  }
0x8a: {  	s10 =	sshrl.u32 s10, $0x3;
	[sflag:s26] =	ssyncset.done $0x0  }
0x8b: {  	s15 =	sadd.s32 $0xFFFFFE80, s13;
	s17 =	sadd.s32 s5, s10;
	[sflag:s26] =	ssyncadd.s32 $0xFFFFC800  }
0x8c: {  	[tilespmem:s4], [sflag:$0x1] =	stream.linear.gather [hbm4b:s17+s4], $0x80, $0x38;
	[tilespmem:$0x1AE00] =	vst v63  }
0x8d: {  	s18 =	sand.u32 $0x3C00, s15;
	_ =	swait.ge [sflag:s28], $0x80  }
0x8e: {  	s15 =	sand.u32 $0x300, s15;
	s14 =	sadd.s32 s7, s18;
	[sflag:s28] =	ssyncset.done $0x0  }
0x8f: {  	s14 =	sor.u32 s14, s15;
	[sflag:s28] =	ssyncadd.s32 $0xFFFFFF80  }
0x90: {  	[spmem:s3] =	stream.indirect.scatter.add.f32 [tilespmem:s25], [sflag:$0x7], $0x80, s22, s24, $0xb8;
	[tilespmem:$0x1AE00] =	vst v63  }
0x91: {  	s14 =	sor.u32 $0x80, s14;
	_ =	swait.ge [sflag:s11], $0x3800  }
0x92: {  	s14 =	sshrl.u32 s14, $0x3;
	[sflag:s11] =	ssyncset.done $0x0  }
0x93: {  	s14 =	sadd.s32 s6, s14;
	[sflag:s11] =	ssyncadd.s32 $0xFFFFC800  }
0x94: {  	[tilespmem:s29], [sflag:$0x4] =	stream.linear.gather [hbm4b:s14+s4], $0x80, $0x38;
	[tilespmem:$0x1AE00] =	vst v63  }
0x95: {  	_ =	swait.ge [sflag:s30], $0x80  }
0x96: {  	s15 =	sand.u32 $0x7C00, s13;
	[sflag:s30] =	ssyncset.done $0x0  }
0x97: {  	s16 =	sand.u32 $0x380, s13;
	s14 =	sadd.s32 s7, s15;
	[sflag:s30] =	ssyncadd.s32 $0xFFFFFF80  }
0x98: {  	[tilespmem:s31], [sflag:$0x6] =	stream.indirect.gather [hbm4b:s1+s24], $0x80, s21, s24, $0xb8;
	[tilespmem:$0x1AE00] =	vst v63  }
0x99: {  	s13 =	sor.u32 s16, s14;
	_ =	swait.ge [sflag:s0], $0x3800  }
0x9a: {  	s13 =	sshrl.u32 s13, $0x3;
	[sflag:s0] =	ssyncset.done $0x0  }
0x9b: {  	s13 =	sadd.s32 s5, s13;
	[sflag:s0] =	ssyncadd.s32 $0xFFFFC800  }
0x9c: {  	[tilespmem:s21], [sflag:$0x2] =	stream.linear.gather [hbm4b:s13+s4], $0x80, $0x38;
	[tilespmem:$0x1AE00] =	vst v63  }
0x9d: {  	_ =	swait.ge [sflag:s2], $0x80  }
0x9e: {  	[sflag:s2] =	ssyncset.done $0x0  }
0x9f: {  	[sflag:s2] =	ssyncadd.s32 $0xFFFFFF80  }
0xa0: {  	[spmem:s3] =	stream.indirect.scatter.add.f32 [tilespmem:s31], [sflag:$0x8], $0x80, s29, s24, $0xb8;
	[tilespmem:$0x1AE00] =	vst v63  }
0xa1: {  	_ =	swait.ge [sflag:s8], $0x3800  }
0xa2: {  	[sflag:s8] =	ssyncset.done $0x0  }
0xa3: {  	s10 =	sadd.s32 s6, s10;
	[sflag:s8] =	ssyncadd.s32 $0xFFFFC800  }
0xa4: {  	[tilespmem:s22], [sflag:$0x3] =	stream.linear.gather [hbm4b:s10+s4], $0x80, $0x38;
	[tilespmem:$0x1AE00] =	vst v63  }
0xa5: {  	_ =	swait.ge [sflag:s23], $0x80  }
0xa6: {  	[sflag:s23] =	ssyncset.done $0x0  }
0xa7: {  	[sflag:s23] =	ssyncadd.s32 $0xFFFFFF80  }
0xa8: {  	[tilespmem:s25], [sflag:$0x5] =	stream.indirect.gather [hbm4b:s1+s24], $0x80, s4, s24, $0xb8;
	[tilespmem:$0x1AE00] =	vst v63  }
0xa9: {  	_ =	swait.ge [sflag:s26], $0x3800  }
0xaa: {  	[sflag:s26] =	ssyncset.done $0x0  }
0xab: {  	[sflag:s26] =	ssyncadd.s32 $0xFFFFC800  }
0xac: {  	_ =	swait.ge [sflag:s11], $0x3800  }
0xad: {  	[sflag:s11] =	ssyncset.done $0x0  }
0xae: {  	[sflag:s11] =	ssyncadd.s32 $0xFFFFC800  }
0xaf: {  	_ =	swait.ge [sflag:s30], $0x80  }
0xb0: {  	[sflag:s30] =	ssyncset.done $0x0  }
0xb1: {  	[sflag:s30] =	ssyncadd.s32 $0xFFFFFF80  }
0xb2: {  	_ =	swait.ge [sflag:s28], $0x80  }
0xb3: {  	[sflag:s28] =	ssyncset.done $0x0  }
0xb4: {  	[sflag:s28] =	ssyncadd.s32 $0xFFFFFF80  }
0xb5: {  	[bflag:$0x0] =	sbarrier.arrive $0xFFFF  }
0xb6: {  	s17 =	rddreg [dreg:$0xc]  }
0xb7: {  	[hbm:s17], [sflag:s9] =	dma.local [spmem:s19], $0x2780  }
0xb8: {  	_ =	swait.ge [sflag:s20], $0x2780  }
0xb9: {  	s12 =	sadd.s32 $0x1, s12;
	s18 =	rddreg [dreg:$0xd]  }
0xba: {  	p0 =	sne.s32 s12, s18  }
.Ltmp1:
0xbb: {  	_ = 	snop;
	(pc) =	sbr.rel @p0 .LBB2_1-.Ltmp1, $3  }
0xbc: {  	_ =	sdelay $0x1  }
0xbd: {  	[sflag:s20] =	ssyncset.done $0x0  }
0xbe: {  	[sflag:s20] =	ssyncadd.s32 $0xFFFFD880  }
0xbf: {  	_ =	sfence.sel $0x180000  }
0xc0: {  	[bflag:$0x0] =	sbarrier.arrive $0xFFFF  }
0xc1: {  	_ =	strace $0x90000047  }
0xc2: {  	s0 =	stileid.u32;
	[bflag:$0x2] =	sbarrier.arrive $0xFFFF  }
0xc3: {  	p0 =	sne.s32 s0, $0x0;
	s0 =	rddreg [dreg:$0x3]  }
0xc4: {  	s0 =	sadd.s32 @!p0 $0x100000, s0  }
0xc5: {  	[sflag:s0] =	ssyncadd.tile.s32 @!p0 $0x1;
	_ =	shalt  }
.Lfunc_end2:
_tile_overlayer_lowered:
.L_overlay_start_2:
0xc6: {  	(tag) =	ssettag $0x2  }
0xc7: {  	s0 =	rddreg [dreg:$0x0];
	s2 =	stileid.u32  }
0xc8: {  	s1 =	rddreg [dreg:$0x1];
	p0 =	sne.s32 s2, $0x0  }
0xc9: {  	s3 =	rddreg [dreg:$0x2];
	[bflag:$0x3] =	sbarrier.arrive $0xFFFF;
	s2 =	simm.s32 @!p0 $0x1C09  }
0xca: {  	[timem:s3], [sflag:s2] =	dma.local @!p0 [hbm:s0], s1  }
0xcb: {  	s0 =	simm.s32 @!p0 $0x9  }
0xcc: {  	_ =	swait.ge @!p0 [sflag:s0], s1  }
0xcd: {  	s1 =	ssub.s32 @!p0 $0x0, s1;
	[sflag:s0] =	ssyncset.done @!p0 $0x0  }
0xce: {  	[sflag:s0] =	ssyncadd.s32 @!p0 s1  }
0xcf: {  	[bflag:$0x3] =	sbarrier.arrive $0xFFFF  }
0xd0: {  	_ =	shalt  }

// kernel: kernel.9.cloned.1.call-start
scs
__scs_entry_jumppad:
0x0: {  	(pc) =	sbr.rel $0x88, $3  }
0x1: {  	(tag) =	ssettag $0x0;
	lr =	simm.s32 $0x1  }
0x2: {  	[smem:$0x3F99] =	sst lr;
	_ =	strace $0xD0000000  }
0x3: {  	_ = 	snop  }
0x4: {  	_ = 	snop  }
0x5: {  	_ = 	snop  }
0x6: {  	_ = 	snop  }
0x7: {  	_ = 	snop  }
__scs_overlays_trampoline_lowered:
0x8: {  	[smem:$0x3FA8] =	sst s0  }
0x9: {  	[smem:$0x3FA9] =	sst s1  }
0xa: {  	[smem:$0x3FAA] =	sst s2  }
0xb: {  	[smem:$0x3FAB] =	sst s3  }
0xc: {  	[smem:$0x3FAC] =	sst s4  }
0xd: {  	[smem:$0x3FAD] =	sst s5  }
0xe: {  	[smem:$0x3FAE] =	sst s6  }
0xf: {  	[smem:$0x3FAF] =	sst s7  }
0x10: {  	[smem:$0x3FB0] =	sst s8  }
0x11: {  	[smem:$0x3FB1] =	sst s9;
	s0 =	simm.s32 @!p0 $0x0  }
0x12: {  	s1 =	sld [smem:$0x3F97];
	s0 =	simm.s32 @p0 $0x1  }
0x13: {  	[smem:$0x3FB2] =	sst s0;
	s0 =	simm.s32 @!p1 $0x0  }
0x14: {  	s2 =	sld [smem:$0x3F96];
	s0 =	simm.s32 @p1 $0x1  }
0x15: {  	[smem:$0x3FB3] =	sst s0;
	s0 =	simm.s32 @!p2 $0x0  }
0x16: {  	s3 =	sld [smem:$0x3FDB];
	s0 =	simm.s32 @p2 $0x1  }
0x17: {  	s4 =	simm.s32 $0x1BF5;
	[smem:$0x3FB5] =	sst s0  }
0x18: {  	s0 =	sld [smem:$0x3F98];
	_ =	swait.ge [sflag:s4], $0x0  }
0x19: {  	s7 =	sld [smem:$0x3F99]  }
0x1a: {  	s8 =	sadd.s32 $0xFFFFE003, lr  }
0x1b: {  	s9 =	sadd.s32 $0xFFFFFEF7, lr;
	s5 =	simm.s32 $0xFFFFFFFF;
	p2 =	slt.u32 s8, $0xFFFFF086  }
0x1c: {  	p1 =	slt.u32 s9, $0xF7A;
	s5 =	simm.s32 @!p2 $0x0  }
0x1d: {  	s5 =	simm.s32 @p1 $0x1;
	p0 =	seq.s32 s7, s2  }
0x1e: {  	s7 =	smul.u32 @!p0 $0xF7A, s2;
	p2 =	seq.s32 @!p0 s5, $0x0  }
0x1f: {  	s9 =	smul.u32 $0xF7A, s1;
	s8 =	simm.s32 @!p0 $0x1BF5;
	p2 =	por !p2, p0  }
0x20: {  	[sflag:s8] =	ssyncset.s32 @!p0 $0xFFFFF086;
	s6 =	sadd.s32 @!p0 s3, s7;
	s7 =	simm.s32 @!p0 $0x108  }
0x21: {  	s3 =	sadd.s32 s3, s9;
	s6 =	sadd.s32 @!p0 $0x88, s6;
	s7 =	simm.s32 @p2 $0x1082  }
0x22: {  	[simem:s7], [sflag:s8] =	dma.local @!p0 [hbm:s6], $0xF7A  }
0x23: {  	s9 =	sor.u32 $0xD0000000, s2;
	s6 =	simm.s32 $0x108;
	_ =	swait.ge @!p0 [sflag:s8], $0x0  }
0x24: {  	s3 =	sadd.s32 $0x88, s3;
	s6 =	simm.s32 @!p1 $0x1082;
	[sflag:s4] =	ssyncset.s32 $0xFFFFF086  }
0x25: {  	[simem:s6], [sflag:s4] =	dma.local [hbm:s3], $0xF7A  }
0x26: {  	[smem:$0x3F99] =	sst s1;
	(tag) =	ssettag s2;
	_ =	strace s9  }
0x27: {  	s1 =	sld [smem:$0x3FA9]  }
0x28: {  	s2 =	sld [smem:$0x3FAA]  }
0x29: {  	s4 =	sld [smem:$0x3FAC]  }
0x2a: {  	p0 =	seq.s32 s5, $0x0;
	s5 =	sld [smem:$0x3FAD]  }
0x2b: {  	s6 =	sld [smem:$0x3FAE]  }
0x2c: {  	s7 =	sld [smem:$0x3FAF]  }
0x2d: {  	s3 =	simm.s32 $0x108;
	s8 =	sld [smem:$0x3FB0]  }
0x2e: {  	s3 =	simm.s32 @!p0 $0x1082;
	s9 =	sld [smem:$0x3FB1]  }
0x2f: {  	lr =	sadd.s32 s0, s3;
	s0 =	sld [smem:$0x3FA8]  }
0x30: {  	s3 =	sld [smem:$0x3FAB]  }
0x31: {  	[smem:$0x3FB4] =	sst s10  }
0x32: {  	s10 =	sld [smem:$0x3FB2];
	_ =	sdelay $0x3  }
0x33: {  	p0 =	seq.s32 s10, $0x1;
	s10 =	sld [smem:$0x3FB4];
	_ =	sdelay $0x3  }
0x34: {  	[smem:$0x3FB4] =	sst s10  }
0x35: {  	s10 =	sld [smem:$0x3FB3];
	_ =	sdelay $0x3  }
0x36: {  	p1 =	seq.s32 s10, $0x1;
	s10 =	sld [smem:$0x3FB4];
	_ =	sdelay $0x3  }
0x37: {  	[smem:$0x3FB4] =	sst s10  }
0x38: {  	s10 =	sld [smem:$0x3FB5]  }
0x39: {  	_ = 	snop;
	(pc) =	sbr.ind lr, $3  }
0x3a: {  	_ = 	snop  }
0x3b: {  	_ = 	snop  }
0x3c: {  	p2 =	seq.s32 s10, $0x1;
	s10 =	sld [smem:$0x3FB4]  }
0x3d: {  	_ =	shalt  }
0x3e: {  	_ =	shalt  }
0x3f: {  	_ =	shalt  }
0x40: {  	_ =	shalt  }
0x41: {  	_ =	shalt  }
0x42: {  	_ =	shalt  }
0x43: {  	_ =	shalt  }
0x44: {  	_ =	shalt  }
0x45: {  	_ =	shalt  }
0x46: {  	_ =	shalt  }
0x47: {  	_ =	shalt  }
0x48: {  	_ =	shalt  }
0x49: {  	_ =	shalt  }
0x4a: {  	_ =	shalt  }
0x4b: {  	_ =	shalt  }
0x4c: {  	_ =	shalt  }
0x4d: {  	_ =	shalt  }
0x4e: {  	_ =	shalt  }
0x4f: {  	_ =	shalt  }
0x50: {  	_ =	shalt  }
0x51: {  	_ =	shalt  }
0x52: {  	_ =	shalt  }
0x53: {  	_ =	shalt  }
0x54: {  	_ =	shalt  }
0x55: {  	_ =	shalt  }
0x56: {  	_ =	shalt  }
0x57: {  	_ =	shalt  }
0x58: {  	_ =	shalt  }
0x59: {  	_ =	shalt  }
0x5a: {  	_ =	shalt  }
0x5b: {  	_ =	shalt  }
0x5c: {  	_ =	shalt  }
0x5d: {  	_ =	shalt  }
0x5e: {  	_ =	shalt  }
0x5f: {  	_ =	shalt  }
0x60: {  	_ =	shalt  }
0x61: {  	_ =	shalt  }
0x62: {  	_ =	shalt  }
0x63: {  	_ =	shalt  }
0x64: {  	_ =	shalt  }
0x65: {  	_ =	shalt  }
0x66: {  	_ =	shalt  }
0x67: {  	_ =	shalt  }
0x68: {  	_ =	shalt  }
0x69: {  	_ =	shalt  }
0x6a: {  	_ =	shalt  }
0x6b: {  	_ =	shalt  }
0x6c: {  	_ =	shalt  }
0x6d: {  	_ =	shalt  }
0x6e: {  	_ =	shalt  }
0x6f: {  	_ =	shalt  }
0x70: {  	_ =	shalt  }
0x71: {  	_ =	shalt  }
0x72: {  	_ =	shalt  }
0x73: {  	_ =	shalt  }
0x74: {  	_ =	shalt  }
0x75: {  	_ =	shalt  }
0x76: {  	_ =	shalt  }
0x77: {  	_ =	shalt  }
0x78: {  	_ =	shalt  }
0x79: {  	_ =	shalt  }
0x7a: {  	_ =	shalt  }
0x7b: {  	_ =	shalt  }
0x7c: {  	_ =	shalt  }
0x7d: {  	_ =	shalt  }
0x7e: {  	_ =	shalt  }
0x7f: {  	_ =	shalt  }
0x80: {  	_ =	shalt  }
0x81: {  	_ =	shalt  }
0x82: {  	_ =	shalt  }
0x83: {  	_ =	shalt  }
0x84: {  	_ =	shalt  }
0x85: {  	_ =	shalt  }
0x86: {  	_ =	shalt  }
0x87: {  	_ =	shalt  }
.Lfunc_end0:
.L_simem_size_0:
called_computation.1_lowered:
.L_overlay_start_0:
0x88: {  	s2 =	sld [smem:$0x3FD9]  }
0x89: {  	s3 =	sld [smem:$0x3FFE];
	_ =	sdelay $0x1  }
0x8a: {  	s1 =	srdreg.scid  }
0x8b: {  	s0 =	sand.u32 $0x1, s1  }
0x8c: {  	s17 =	sshll.u32 s0, $0xA;
	s2 =	sadd.s32 s3, s2  }
0x8d: {  	s2 =	sadd.s32 s2, s17  }
0x8e: {  	[smem:$0x3FC0] =	sst s2  }
0x8f: {  	_ = 	snop  }
0x90: {  	s2 =	sld [smem:$0x3FD0];
	(tm) =	ssettm $0x1  }
0x91: {  	s18 =	sld [smem:$0x3FFB];
	_ =	sdelay $0x3  }
0x92: {  	_ =	strace s18  }
0x93: {  	s3 =	sld [smem:$0x3FFC];
	_ =	sdelay $0x3  }
0x94: {  	_ =	strace s3  }
0x95: {  	s3 =	sld [smem:$0x3FFD];
	_ =	sdelay $0x3  }
0x96: {  	_ =	strace s3  }
0x97: {  	_ =	strace $0x8FFFFFFF  }
0x98: {  	s19 =	sld [smem:$0x3FDB];
	_ =	sdelay $0x1  }
0x99: {  	s4 =	simm.s32 $_scs_section_size  }
0x9a: {  	s5 =	simm.s32 $_size__tile_overlayer_lowered;
	s6 =	simm.s32 $_tile_overlayer_lowered  }
0x9b: {  	s22 =	simm.s32 $0x1BFF;
	s21 =	sshll.u32 s6, $0x1;
	s3 =	sadd.s32 s4, s19  }
0x9c: {  	s7 =	simm.s32 $0x0;
	s20 =	sshll.u32 s5, $0x1;
	s5 =	sadd.s32 s21, s3  }
0x9d: {  	[timem:s7], [sflag:s22] =	dma.local [hbm:s5], s20  }
0x9e: {  	_ =	swait.ge [sflag:s22], s20  }
0x9f: {  	s4 =	ssub.s32 $0x0, s20;
	[sflag:s22] =	ssyncset.done $0x0  }
0xa0: {  	[sflag:s22] =	ssyncadd.s32 s4;
	_ =	sdelay $0x1  }
0xa1: {  	s23 =	simm.s32 $0x1B8B  }
0xa2: {  	_ =	swait.ge [sflag:s23], $0x1  }
0xa3: {  	[sflag:s23] =	ssyncset.done $0x0  }
0xa4: {  	s25 =	simm.s32 $0x1B8E;
	s24 =	sld [smem:$0x3FFE];
	[sflag:s23] =	ssyncadd.s32 $0xFFFFFFFF  }
0xa5: {  	s26 =	simm.s32 $execute0_lowered;
	[smem:$0x3FD2] =	sst s25  }
0xa6: {  	s5 =	sshll.u32 s26, $0x1;
	_ =	strace $0x80000049;
	[dreg:$0x1] =	wrdreg $0xFFFFFFFF  }
0xa7: {  	s28 =	simm.s32 $_size_execute0_lowered;
	s3 =	sadd.s32 s3, s5;
	[dreg:$0x0] =	wrdreg $0x0  }
0xa8: {  	s5 =	sshll.u32 s28, $0x1;
	[dreg:$0x2] =	wrdreg s3  }
0xa9: {  	[dreg:$0x3] =	wrdreg s5  }
0xaa: {  	[dreg:$0x4] =	wrdreg $0xC0  }
0xab: {  	_ =	task [dreg:s7], $0x5FFFF  }
0xac: {  	[dreg:$0x1] =	wrdreg $0xFFFFFFFF  }
0xad: {  	[dreg:$0x0] =	wrdreg $0x60  }
0xae: {  	[dreg:$0x2] =	wrdreg s2  }
0xaf: {  	[dreg:$0x3] =	wrdreg s24  }
0xb0: {  	[dreg:$0x4] =	wrdreg $0x72000  }
0xb1: {  	[dreg:$0x5] =	wrdreg $0x9  }
0xb2: {  	_ =	task.clear_ibuf [dreg:s7], $0x6FFFF;
	_ =	strace $0x90000049  }
0xb3: {  	s29 =	simm.s32 $0x9;
	_ =	strace $0x8000004B  }
0xb4: {  	_ =	swait.ge [sflag:s29], $0x1  }
0xb5: {  	[sflag:s29] =	ssyncadd.s32 $0xFFFFFFFF  }
0xb6: {  	_ =	strace $0x9000004B  }
0xb7: {  	_ =	sfence  }
0xb8: {  	s30 =	sld [smem:$0x0];
	_ =	sdelay $0x2  }
0xb9: {  	s31 =	sshll.u32 s1, $0xD;
	s1 =	sshrl.u32 s1, $0x2  }
0xba: {  	s3 =	sand.u32 $0x4000, s31;
	s1 =	sadd.s32 s1, s30  }
0xbb: {  	s0 =	sor.u32 s3, s0;
	s1 =	sshll.u32 s1, $0x11  }
0xbc: {  	s0 =	sor.u32 s1, s0  }
0xbd: {  	s0 =	sadd.s32 $0x8F2B, s0  }
0xbe: {  	[sflag:s0] =	ssyncadd.remote.s32 $0x1  }
0xbf: {  	_ =	sfence.sel $0xFFFF  }
0xc0: {  	[dreg:$0x0] =	wrdreg $0xFFFFFFFF;
	(pc) =	sbr.abs _section_cstart, $3  }
0xc1: {  	[dreg:$0x1] =	wrdreg $0xFFFFFFFF  }
0xc2: {  	_ =	task.clear_ibuf [dreg:s7], $0x2FFFF;
	_ =	strace $0x9FFFFFFF  }
0xc3: {  	(tm) =	ssettm $0x7FFFFFFF  }
tec
execute0_lowered:
.L_overlay_start_1:
0x0: {  	(tag) =	ssettag $0x1  }
0x1: {  	s1 =	rddreg [dreg:$0x0]  }
0x2: {  	s0 =	rddreg [dreg:$0x1]  }
0x3: {  	s3 =	rddreg [dreg:$0x2];
	s4 =	simm.s32 $0x0  }
0x4: {  	s13 =	stileid.u32;
	s7 =	srdreg.scid;
	s28 =	simm.s32 $0x3  }
0x5: {  	s29 =	simm.s32 $0x180;
	s30 =	simm.s32 $0x2;
	s31 =	simm.s32 $0x3A00  }
0x6: {  	[smem:$0x7FF] =	sst s4;
	s2 =	smul.u32 $0x2780, s13;
	s5 =	sadd.s32 $0xE800, s0  }
0x7: {  	s6 =	sadd.s32 $0x2800, s0;
	s7 =	sand.u32 $0x1, s7;
	s10 =	sshll.u32 s13, $0x1  }
0x8: {  	s12 =	smul.u32 $0x4F000, s13;
	s17 =	sshll.u32 s13, $0x6;
	_ =	strace $0x8000004A  }
0x9: {  	s9 =	smul.u32 $0x27800, s7;
	s11 =	ssub.s32 $0x2, s7;
	s7 =	sor.u32 s7, s10  }
0xa: {  	s8 =	sadd.s32 s2, s0;
	s10 =	sshrl.u32 s11, $0x1;
	s7 =	smul.u32 $0x3000, s7  }
0xb: {  	s15 =	sshrl.u32 s12, $0x2;
	s2 =	sadd.s32 s2, s9;
	s14 =	ssub.s32 s11, s10  }
0xc: {  	s16 =	sadd.s32 s15, s3;
	s8 =	sadd.s32 $0x1A800, s8;
	s9 =	sor.u32 $0x1C09, s17  }
0xd: {  	s11 =	simm.s32 $0x8;
	s0 =	sadd.s32 s2, s0;
	s18 =	sshrl.u32 s7, $0x3  }
0xe: {  	[dreg:$0x4] =	wrdreg s8;
	s26 =	smax.u32 s14, $0x1;
	s2 =	simm.s32 $0x4  }
0xf: {  	s19 =	sor.u32 $0x10, s18;
	s12 =	sadd.s32 s6, s18;
	[dreg:$0xd] =	wrdreg s26  }
0x10: {  	s20 =	sadd.s32 s5, s18;
	s22 =	sor.u32 $0x20, s18;
	[dreg:$0x7] =	wrdreg s12  }
0x11: {  	s0 =	sadd.s32 $0x90200, s0;
	s26 =	simm.s32 $0x5;
	[dreg:$0x5] =	wrdreg s20  }
0x12: {  	s21 =	sadd.s32 s5, s19;
	s23 =	sadd.s32 s5, s22;
	[dreg:$0xc] =	wrdreg s0  }
0x13: {  	s8 =	sadd.s32 s6, s19;
	s24 =	sadd.s32 $0x30, s20;
	[dreg:$0x6] =	wrdreg s21  }
0x14: {  	s25 =	sadd.s32 s6, s22;
	s19 =	sshrl.u32 s16, $0x3;
	[dreg:$0x8] =	wrdreg s23  }
0x15: {  	s20 =	simm.s32 $0x9;
	s22 =	simm.s32 $0x100;
	[dreg:$0x9] =	wrdreg s8  }
0x16: {  	s0 =	simm.s32 $0x6;
	s12 =	simm.s32 $0x0;
	[dreg:$0xa] =	wrdreg s24  }
0x17: {  	[dreg:$0xb] =	wrdreg s25;
	s21 =	simm.s32 $0x80;
	s23 =	simm.s32 $0x1  }
0x18: {  	s24 =	simm.s32 $0x70;
	s25 =	simm.s32 $0x200;
	s8 =	simm.s32 $0x7  }
.LBB2_1:
0x19: {  	s10 =	rddreg [dreg:$0x4]  }
0x1a: {  	[spmem:s19], [sflag:s9] =	dma.local [hbm:s10], $0x2780  }
0x1b: {  	_ =	swait.ge [sflag:s20], $0x2780  }
0x1c: {  	[sflag:s20] =	ssyncset.done $0x0  }
0x1d: {  	[sflag:s20] =	ssyncadd.s32 $0xFFFFD880  }
0x1e: {  	[bflag:$0x0] =	sbarrier.arrive $0xFFFF  }
0x1f: {  	s15 =	rddreg [dreg:$0x5]  }
0x20: {  	[tilespmem:s4], [sflag:$0x1] =	stream.linear.gather [hbm4b:s15+s4], $0x80, $0x38;
	[tilespmem:$0x1AE00] =	vst v63  }
0x21: {  	s16 =	rddreg [dreg:$0x6]  }
0x22: {  	[tilespmem:s21], [sflag:$0x2] =	stream.linear.gather [hbm4b:s16+s4], $0x80, $0x38;
	[tilespmem:$0x1AE00] =	vst v63  }
0x23: {  	s17 =	rddreg [dreg:$0x7]  }
0x24: {  	[tilespmem:s22], [sflag:$0x3] =	stream.linear.gather [hbm4b:s17+s4], $0x80, $0x38;
	[tilespmem:$0x1AE00] =	vst v63  }
0x25: {  	_ =	swait.ge [sflag:s23], $0x80  }
0x26: {  	[sflag:s23] =	ssyncset.done $0x0  }
0x27: {  	[sflag:s23] =	ssyncadd.s32 $0xFFFFFF80  }
0x28: {  	[tilespmem:s25], [sflag:$0x5] =	stream.indirect.gather [hbm4b:s1+s24], $0x80, s4, s24, $0xb8;
	[tilespmem:$0x1AE00] =	vst v63  }
0x29: {  	_ =	swait.ge [sflag:s26], $0x3800  }
0x2a: {  	[sflag:s26] =	ssyncset.done $0x0  }
0x2b: {  	s18 =	rddreg [dreg:$0x8];
	[sflag:s26] =	ssyncadd.s32 $0xFFFFC800  }
0x2c: {  	[tilespmem:s4], [sflag:$0x1] =	stream.linear.gather [hbm4b:s18+s4], $0x80, $0x38;
	[tilespmem:$0x1AE00] =	vst v63  }
0x2d: {  	_ =	swait.ge [sflag:s28], $0x80  }
0x2e: {  	[sflag:s28] =	ssyncset.done $0x0  }
0x2f: {  	[sflag:s28] =	ssyncadd.s32 $0xFFFFFF80  }
0x30: {  	[spmem:s3] =	stream.indirect.scatter.add.f32 [tilespmem:s25], [sflag:$0x7], $0x80, s22, s24, $0xb8;
	[tilespmem:$0x1AE00] =	vst v63  }
0x31: {  	s13 =	rddreg [dreg:$0x9]  }
0x32: {  	[tilespmem:s29], [sflag:$0x4] =	stream.linear.gather [hbm4b:s13+s4], $0x80, $0x38;
	[tilespmem:$0x1AE00] =	vst v63  }
0x33: {  	_ =	swait.ge [sflag:s30], $0x80  }
0x34: {  	[sflag:s30] =	ssyncset.done $0x0  }
0x35: {  	[sflag:s30] =	ssyncadd.s32 $0xFFFFFF80  }
0x36: {  	[tilespmem:s31], [sflag:$0x6] =	stream.indirect.gather [hbm4b:s1+s24], $0x80, s21, s24, $0xb8;
	[tilespmem:$0x1AE00] =	vst v63  }
0x37: {  	_ =	swait.ge [sflag:s0], $0x3800  }
0x38: {  	[sflag:s0] =	ssyncset.done $0x0  }
0x39: {  	s14 =	rddreg [dreg:$0xa];
	[sflag:s0] =	ssyncadd.s32 $0xFFFFC800  }
0x3a: {  	[tilespmem:s21], [sflag:$0x2] =	stream.linear.gather [hbm4b:s14+s4], $0x80, $0x38;
	[tilespmem:$0x1AE00] =	vst v63  }
0x3b: {  	_ =	swait.ge [sflag:s2], $0x80  }
0x3c: {  	[sflag:s2] =	ssyncset.done $0x0  }
0x3d: {  	[sflag:s2] =	ssyncadd.s32 $0xFFFFFF80  }
0x3e: {  	[spmem:s3] =	stream.indirect.scatter.add.f32 [tilespmem:s31], [sflag:$0x8], $0x80, s29, s24, $0xb8;
	[tilespmem:$0x1AE00] =	vst v63  }
0x3f: {  	_ =	swait.ge [sflag:s8], $0x3800  }
0x40: {  	[sflag:s8] =	ssyncset.done $0x0  }
0x41: {  	s15 =	rddreg [dreg:$0xb];
	[sflag:s8] =	ssyncadd.s32 $0xFFFFC800  }
0x42: {  	[tilespmem:s22], [sflag:$0x3] =	stream.linear.gather [hbm4b:s15+s4], $0x80, $0x38;
	[tilespmem:$0x1AE00] =	vst v63  }
0x43: {  	s13 =	simm.s32 $0x200;
	_ =	swait.ge [sflag:s23], $0x80  }
0x44: {  	s14 =	sand.u32 $0x7C00, s13;
	[sflag:s23] =	ssyncset.done $0x0  }
0x45: {  	s13 =	sand.u32 $0x300, s13;
	s14 =	sadd.s32 s7, s14;
	[sflag:s23] =	ssyncadd.s32 $0xFFFFFF80  }
0x46: {  	[tilespmem:s25], [sflag:$0x5] =	stream.indirect.gather [hbm4b:s1+s24], $0x80, s4, s24, $0xb8;
	[tilespmem:$0x1AE00] =	vst v63  }
0x47: {  	s13 =	sor.u32 s13, s14;
	_ =	swait.ge [sflag:s26], $0x3800  }
0x48: {  	s14 =	sshrl.u32 s13, $0x3;
	[sflag:s26] =	ssyncset.done $0x0  }
0x49: {  	s13 =	sadd.s32 s5, s14;
	s15 =	simm.s32 $0x100;
	[sflag:s26] =	ssyncadd.s32 $0xFFFFC800  }
0x4a: {  	[tilespmem:s4], [sflag:$0x1] =	stream.linear.gather [hbm4b:s13+s4], $0x80, $0x38;
	[tilespmem:$0x1AE00] =	vst v63  }
0x4b: {  	s16 =	sand.u32 $0x3C00, s15;
	_ =	swait.ge [sflag:s28], $0x80  }
0x4c: {  	s15 =	sand.u32 $0x300, s15;
	s13 =	sadd.s32 s7, s16;
	[sflag:s28] =	ssyncset.done $0x0  }
0x4d: {  	s13 =	sor.u32 s13, s15;
	[sflag:s28] =	ssyncadd.s32 $0xFFFFFF80  }
0x4e: {  	[spmem:s3] =	stream.indirect.scatter.add.f32 [tilespmem:s25], [sflag:$0x7], $0x80, s22, s24, $0xb8;
	[tilespmem:$0x1AE00] =	vst v63  }
0x4f: {  	s13 =	sor.u32 $0x80, s13;
	_ =	swait.ge [sflag:s11], $0x3800  }
0x50: {  	s13 =	sshrl.u32 s13, $0x3;
	[sflag:s11] =	ssyncset.done $0x0  }
0x51: {  	s13 =	sadd.s32 s6, s13;
	[sflag:s11] =	ssyncadd.s32 $0xFFFFC800  }
0x52: {  	[tilespmem:s29], [sflag:$0x4] =	stream.linear.gather [hbm4b:s13+s4], $0x80, $0x38;
	[tilespmem:$0x1AE00] =	vst v63  }
0x53: {  	s17 =	simm.s32 $0x280;
	_ =	swait.ge [sflag:s30], $0x80  }
0x54: {  	s18 =	sand.u32 $0x7C00, s17;
	[sflag:s30] =	ssyncset.done $0x0  }
0x55: {  	s15 =	sadd.s32 s7, s18;
	s13 =	sand.u32 $0x380, s17;
	[sflag:s30] =	ssyncadd.s32 $0xFFFFFF80  }
0x56: {  	[tilespmem:s31], [sflag:$0x6] =	stream.indirect.gather [hbm4b:s1+s24], $0x80, s21, s24, $0xb8;
	[tilespmem:$0x1AE00] =	vst v63  }
0x57: {  	s13 =	sor.u32 s13, s15;
	_ =	swait.ge [sflag:s0], $0x3800  }
0x58: {  	s13 =	sshrl.u32 s13, $0x3;
	[sflag:s0] =	ssyncset.done $0x0  }
0x59: {  	s13 =	sadd.s32 s5, s13;
	[sflag:s0] =	ssyncadd.s32 $0xFFFFC800  }
0x5a: {  	[tilespmem:s21], [sflag:$0x2] =	stream.linear.gather [hbm4b:s13+s4], $0x80, $0x38;
	[tilespmem:$0x1AE00] =	vst v63  }
0x5b: {  	_ =	swait.ge [sflag:s2], $0x80  }
0x5c: {  	[sflag:s2] =	ssyncset.done $0x0  }
0x5d: {  	s16 =	simm.s32 $0x300;
	[sflag:s2] =	ssyncadd.s32 $0xFFFFFF80  }
0x5e: {  	[spmem:s3] =	stream.indirect.scatter.add.f32 [tilespmem:s31], [sflag:$0x8], $0x80, s29, s24, $0xb8;
	[tilespmem:$0x1AE00] =	vst v63  }
0x5f: {  	s18 =	sand.u32 $0x7C00, s16;
	s17 =	sadd.s32 s6, s14;
	_ =	swait.ge [sflag:s8], $0x3800  }
0x60: {  	s15 =	simm.s32 $0x480;
	s13 =	simm.s32 $0x380;
	[sflag:s8] =	ssyncset.done $0x0  }
.LBB2_2:
0x61: {  	s18 =	sadd.s32 s7, s18  }
0x62: {  	s16 =	sand.u32 $0x300, s16;
	[sflag:s8] =	ssyncadd.s32 $0xFFFFC800;
	s10 =	smov.u32 s15  }
0x63: {  	[tilespmem:s22], [sflag:$0x3] =	stream.linear.gather [hbm4b:s17+s4], $0x80, $0x38;
	[tilespmem:$0x1AE00] =	vst v63  }
0x64: {  	s14 =	sadd.s32 $0x100, s15;
	s16 =	sor.u32 s16, s18;
	_ =	swait.ge [sflag:s23], $0x80  }
0x65: {  	p0 =	sne.s32 s15, $0x2D80;
	s15 =	sshrl.u32 s16, $0x3;
	[sflag:s23] =	ssyncset.done $0x0  }
0x66: {  	[sflag:s23] =	ssyncadd.s32 $0xFFFFFF80  }
0x67: {  	[tilespmem:s25], [sflag:$0x5] =	stream.indirect.gather [hbm4b:s1+s24], $0x80, s4, s24, $0xb8;
	[tilespmem:$0x1AE00] =	vst v63  }
0x68: {  	_ =	swait.ge [sflag:s26], $0x3800  }
0x69: {  	s16 =	sadd.s32 s5, s15;
	[sflag:s26] =	ssyncset.done $0x0  }
0x6a: {  	s17 =	sadd.s32 $0xFFFFFE80, s13;
	[sflag:s26] =	ssyncadd.s32 $0xFFFFC800  }
0x6b: {  	[tilespmem:s4], [sflag:$0x1] =	stream.linear.gather [hbm4b:s16+s4], $0x80, $0x38;
	[tilespmem:$0x1AE00] =	vst v63  }
0x6c: {  	s16 =	sand.u32 $0x3C00, s17;
	s17 =	sand.u32 $0x300, s17;
	_ =	swait.ge [sflag:s28], $0x80  }
0x6d: {  	s16 =	sadd.s32 s7, s16;
	[sflag:s28] =	ssyncset.done $0x0  }
0x6e: {  	s16 =	sor.u32 s16, s17;
	[sflag:s28] =	ssyncadd.s32 $0xFFFFFF80  }
0x6f: {  	[spmem:s3] =	stream.indirect.scatter.add.f32 [tilespmem:s25], [sflag:$0x7], $0x80, s22, s24, $0xb8;
	[tilespmem:$0x1AE00] =	vst v63  }
0x70: {  	s16 =	sor.u32 $0x80, s16;
	_ =	swait.ge [sflag:s11], $0x3800  }
0x71: {  	s16 =	sshrl.u32 s16, $0x3;
	[sflag:s11] =	ssyncset.done $0x0  }
0x72: {  	s16 =	sadd.s32 s6, s16;
	[sflag:s11] =	ssyncadd.s32 $0xFFFFC800  }
0x73: {  	[tilespmem:s29], [sflag:$0x4] =	stream.linear.gather [hbm4b:s16+s4], $0x80, $0x38;
	[tilespmem:$0x1AE00] =	vst v63  }
0x74: {  	_ =	swait.ge [sflag:s30], $0x80  }
0x75: {  	[sflag:s30] =	ssyncset.done $0x0  }
0x76: {  	s17 =	sand.u32 $0x380, s13;
	s16 =	sand.u32 $0x7C00, s13;
	[sflag:s30] =	ssyncadd.s32 $0xFFFFFF80  }
0x77: {  	[tilespmem:s31], [sflag:$0x6] =	stream.indirect.gather [hbm4b:s1+s24], $0x80, s21, s24, $0xb8;
	[tilespmem:$0x1AE00] =	vst v63  }
0x78: {  	s13 =	smov.u32 s10;
	s16 =	sadd.s32 s7, s16;
	_ =	swait.ge [sflag:s0], $0x3800  }
0x79: {  	s10 =	sor.u32 s17, s16;
	[sflag:s0] =	ssyncset.done $0x0  }
0x7a: {  	s10 =	sshrl.u32 s10, $0x3;
	[sflag:s0] =	ssyncadd.s32 $0xFFFFC800  }
0x7b: {  	s10 =	sadd.s32 s5, s10  }
0x7c: {  	[tilespmem:s21], [sflag:$0x2] =	stream.linear.gather [hbm4b:s10+s4], $0x80, $0x38;
	[tilespmem:$0x1AE00] =	vst v63  }
0x7d: {  	_ =	swait.ge [sflag:s2], $0x80  }
.Ltmp0:
0x7e: {  	[sflag:s2] =	ssyncset.done $0x0;
	(pc) =	sbr.rel @p0 .LBB2_2-.Ltmp0, $4  }
0x7f: {  	[sflag:s2] =	ssyncadd.s32 $0xFFFFFF80  }
0x80: {  	[spmem:s3] =	stream.indirect.scatter.add.f32 [tilespmem:s31], [sflag:$0x8], $0x80, s29, s24, $0xb8;
	[tilespmem:$0x1AE00] =	vst v63  }
0x81: {  	s16 =	sadd.s32 $0xFFFFFF80, s13;
	s17 =	sadd.s32 s6, s15;
	_ =	swait.ge [sflag:s8], $0x3800  }
0x82: {  	s15 =	smov.u32 s14;
	s18 =	sand.u32 $0x7C00, s16;
	[sflag:s8] =	ssyncset.done $0x0  }
0x83: {  	[sflag:s8] =	ssyncadd.s32 $0xFFFFC800  }
0x84: {  	[tilespmem:s22], [sflag:$0x3] =	stream.linear.gather [hbm4b:s17+s4], $0x80, $0x38;
	[tilespmem:$0x1AE00] =	vst v63  }
0x85: {  	_ =	swait.ge [sflag:s23], $0x80  }
0x86: {  	[sflag:s23] =	ssyncset.done $0x0  }
0x87: {  	s10 =	sadd.s32 s7, s18;
	s14 =	sand.u32 $0x300, s16;
	[sflag:s23] =	ssyncadd.s32 $0xFFFFFF80  }
0x88: {  	[tilespmem:s25], [sflag:$0x5] =	stream.indirect.gather [hbm4b:s1+s24], $0x80, s4, s24, $0xb8;
	[tilespmem:$0x1AE00] =	vst v63  }
0x89: {  	s10 =	sor.u32 s14, s10;
	_ =	swait.ge [sflag:s26], $0x3800  }
0x8a: {  	s10 =	sshrl.u32 s10, $0x3;
	[sflag:s26] =	ssyncset.done $0x0  }
0x8b: {  	s15 =	sadd.s32 $0xFFFFFE80, s13;
	s17 =	sadd.s32 s5, s10;
	[sflag:s26] =	ssyncadd.s32 $0xFFFFC800  }
0x8c: {  	[tilespmem:s4], [sflag:$0x1] =	stream.linear.gather [hbm4b:s17+s4], $0x80, $0x38;
	[tilespmem:$0x1AE00] =	vst v63  }
0x8d: {  	s18 =	sand.u32 $0x3C00, s15;
	_ =	swait.ge [sflag:s28], $0x80  }
0x8e: {  	s15 =	sand.u32 $0x300, s15;
	s14 =	sadd.s32 s7, s18;
	[sflag:s28] =	ssyncset.done $0x0  }
0x8f: {  	s14 =	sor.u32 s14, s15;
	[sflag:s28] =	ssyncadd.s32 $0xFFFFFF80  }
0x90: {  	[spmem:s3] =	stream.indirect.scatter.add.f32 [tilespmem:s25], [sflag:$0x7], $0x80, s22, s24, $0xb8;
	[tilespmem:$0x1AE00] =	vst v63  }
0x91: {  	s14 =	sor.u32 $0x80, s14;
	_ =	swait.ge [sflag:s11], $0x3800  }
0x92: {  	s14 =	sshrl.u32 s14, $0x3;
	[sflag:s11] =	ssyncset.done $0x0  }
0x93: {  	s14 =	sadd.s32 s6, s14;
	[sflag:s11] =	ssyncadd.s32 $0xFFFFC800  }
0x94: {  	[tilespmem:s29], [sflag:$0x4] =	stream.linear.gather [hbm4b:s14+s4], $0x80, $0x38;
	[tilespmem:$0x1AE00] =	vst v63  }
0x95: {  	_ =	swait.ge [sflag:s30], $0x80  }
0x96: {  	s15 =	sand.u32 $0x7C00, s13;
	[sflag:s30] =	ssyncset.done $0x0  }
0x97: {  	s16 =	sand.u32 $0x380, s13;
	s14 =	sadd.s32 s7, s15;
	[sflag:s30] =	ssyncadd.s32 $0xFFFFFF80  }
0x98: {  	[tilespmem:s31], [sflag:$0x6] =	stream.indirect.gather [hbm4b:s1+s24], $0x80, s21, s24, $0xb8;
	[tilespmem:$0x1AE00] =	vst v63  }
0x99: {  	s13 =	sor.u32 s16, s14;
	_ =	swait.ge [sflag:s0], $0x3800  }
0x9a: {  	s13 =	sshrl.u32 s13, $0x3;
	[sflag:s0] =	ssyncset.done $0x0  }
0x9b: {  	s13 =	sadd.s32 s5, s13;
	[sflag:s0] =	ssyncadd.s32 $0xFFFFC800  }
0x9c: {  	[tilespmem:s21], [sflag:$0x2] =	stream.linear.gather [hbm4b:s13+s4], $0x80, $0x38;
	[tilespmem:$0x1AE00] =	vst v63  }
0x9d: {  	_ =	swait.ge [sflag:s2], $0x80  }
0x9e: {  	[sflag:s2] =	ssyncset.done $0x0  }
0x9f: {  	[sflag:s2] =	ssyncadd.s32 $0xFFFFFF80  }
0xa0: {  	[spmem:s3] =	stream.indirect.scatter.add.f32 [tilespmem:s31], [sflag:$0x8], $0x80, s29, s24, $0xb8;
	[tilespmem:$0x1AE00] =	vst v63  }
0xa1: {  	_ =	swait.ge [sflag:s8], $0x3800  }
0xa2: {  	[sflag:s8] =	ssyncset.done $0x0  }
0xa3: {  	s10 =	sadd.s32 s6, s10;
	[sflag:s8] =	ssyncadd.s32 $0xFFFFC800  }
0xa4: {  	[tilespmem:s22], [sflag:$0x3] =	stream.linear.gather [hbm4b:s10+s4], $0x80, $0x38;
	[tilespmem:$0x1AE00] =	vst v63  }
0xa5: {  	_ =	swait.ge [sflag:s23], $0x80  }
0xa6: {  	[sflag:s23] =	ssyncset.done $0x0  }
0xa7: {  	[sflag:s23] =	ssyncadd.s32 $0xFFFFFF80  }
0xa8: {  	[tilespmem:s25], [sflag:$0x5] =	stream.indirect.gather [hbm4b:s1+s24], $0x80, s4, s24, $0xb8;
	[tilespmem:$0x1AE00] =	vst v63  }
0xa9: {  	_ =	swait.ge [sflag:s26], $0x3800  }
0xaa: {  	[sflag:s26] =	ssyncset.done $0x0  }
0xab: {  	[sflag:s26] =	ssyncadd.s32 $0xFFFFC800  }
0xac: {  	_ =	swait.ge [sflag:s11], $0x3800  }
0xad: {  	[sflag:s11] =	ssyncset.done $0x0  }
0xae: {  	[sflag:s11] =	ssyncadd.s32 $0xFFFFC800  }
0xaf: {  	_ =	swait.ge [sflag:s30], $0x80  }
0xb0: {  	[sflag:s30] =	ssyncset.done $0x0  }
0xb1: {  	[sflag:s30] =	ssyncadd.s32 $0xFFFFFF80  }
0xb2: {  	_ =	swait.ge [sflag:s28], $0x80  }
0xb3: {  	[sflag:s28] =	ssyncset.done $0x0  }
0xb4: {  	[sflag:s28] =	ssyncadd.s32 $0xFFFFFF80  }
0xb5: {  	[bflag:$0x0] =	sbarrier.arrive $0xFFFF  }
0xb6: {  	s17 =	rddreg [dreg:$0xc]  }
0xb7: {  	[hbm:s17], [sflag:s9] =	dma.local [spmem:s19], $0x2780  }
0xb8: {  	_ =	swait.ge [sflag:s20], $0x2780  }
0xb9: {  	s12 =	sadd.s32 $0x1, s12;
	s18 =	rddreg [dreg:$0xd]  }
0xba: {  	p0 =	sne.s32 s12, s18  }
.Ltmp1:
0xbb: {  	_ = 	snop;
	(pc) =	sbr.rel @p0 .LBB2_1-.Ltmp1, $3  }
0xbc: {  	_ =	sdelay $0x1  }
0xbd: {  	[sflag:s20] =	ssyncset.done $0x0  }
0xbe: {  	[sflag:s20] =	ssyncadd.s32 $0xFFFFD880  }
0xbf: {  	_ =	sfence.sel $0x180000  }
0xc0: {  	[bflag:$0x0] =	sbarrier.arrive $0xFFFF  }
0xc1: {  	_ =	strace $0x9000004A  }
0xc2: {  	s0 =	stileid.u32;
	[bflag:$0x2] =	sbarrier.arrive $0xFFFF  }
0xc3: {  	p0 =	sne.s32 s0, $0x0;
	s0 =	rddreg [dreg:$0x3]  }
0xc4: {  	s0 =	sadd.s32 @!p0 $0x100000, s0  }
0xc5: {  	[sflag:s0] =	ssyncadd.tile.s32 @!p0 $0x1;
	_ =	shalt  }
.Lfunc_end2:
_tile_overlayer_lowered:
.L_overlay_start_2:
0xc6: {  	(tag) =	ssettag $0x2  }
0xc7: {  	s0 =	rddreg [dreg:$0x0];
	s2 =	stileid.u32  }
0xc8: {  	s1 =	rddreg [dreg:$0x1];
	p0 =	sne.s32 s2, $0x0  }
0xc9: {  	s3 =	rddreg [dreg:$0x2];
	[bflag:$0x3] =	sbarrier.arrive $0xFFFF;
	s2 =	simm.s32 @!p0 $0x1C09  }
0xca: {  	[timem:s3], [sflag:s2] =	dma.local @!p0 [hbm:s0], s1  }
0xcb: {  	s0 =	simm.s32 @!p0 $0x9  }
0xcc: {  	_ =	swait.ge @!p0 [sflag:s0], s1  }
0xcd: {  	s1 =	ssub.s32 @!p0 $0x0, s1;
	[sflag:s0] =	ssyncset.done @!p0 $0x0  }
0xce: {  	[sflag:s0] =	ssyncadd.s32 @!p0 s1  }
0xcf: {  	[bflag:$0x3] =	sbarrier.arrive $0xFFFF  }
0xd0: {  	_ =	shalt  }

</sc_bundles>
